<compile_context>
chip_gen: v7x
topology: tpu7x:2x2x1
jax: 0.10.2.dev20260603
libtpu: 0.0.44.dev20260713+nightly
codegen_flags: <defaults>
</compile_context>

<pallas_src>
import functools

import jax
import jax.numpy as jnp
import numpy as np
from jax import lax
from jax.experimental import pallas as pl
from jax.experimental.pallas import tpu as pltpu
from jax.experimental.pallas import tpu_sc as plsc

N = 32
NT = 465
NR = 136
CROW = 128
SCALE = float(N + 1)
INV = 1.0 / SCALE
NW = 32
BW = 4096 // NW
NG = BW // 16


def _offset(c):
    return 30 * c - c * (c - 1) // 2


def _fidx(r, c):
    return _offset(c) + (r - (c + 2))


def _tables():
    cc, cl, cu, cd = [], [], [], []
    for i in range(2, N):
        cc.append(_fidx(i, 0))
        cl.append(NT + 0)
        cd.append(NT + 0)
        cu.append(NT + 1 if i == 2 else _fidx(i - 1, 0))
        for j in range(1, i - 1):
            cc.append(_fidx(i, j))
            cl.append(_fidx(i, j - 1))
            cd.append(_fidx(i - 1, j - 1))
            cu.append(NT + (i - 1) if j == i - 2 else _fidx(i - 1, j))
    out = []
    for t in (cc, cl, cu, cd):
        out.append(np.repeat(np.asarray(t, np.int32), 16))
    return out


_TBLS = _tables()


def _sc_kernel(x_hbm, tc_hbm, tl_hbm, tu_hbm, td_hbm, out_hbm, loss_hbm,
               data_v, tc_v, tl_v, tu_v, td_v, lw_v):
    wid = lax.axis_index("s") * 2 + lax.axis_index("c")
    base = wid * BW
    pltpu.sync_copy(x_hbm.at[pl.ds(base, BW)], data_v.at[pl.ds(0, BW), :])
    pltpu.sync_copy(tc_hbm, tc_v)
    pltpu.sync_copy(tl_hbm, tl_v)
    pltpu.sync_copy(tu_hbm, tu_v)
    pltpu.sync_copy(td_hbm, td_v)

    io = lax.iota(jnp.int32, 16)
    crow = io * 0 + CROW
    iof = io.astype(jnp.float32)
    plsc.store_scatter(data_v, [crow, io], iof * INV)
    plsc.store_scatter(data_v, [crow, io + 16], (iof + 16.0) * INV)

    rows = [io + (g * 16) for g in range(NG)]

    def resolve(kx):
        is_c = kx >= NT
        col = jnp.where(is_c, kx - NT, kx)
        return is_c, col

    def body(k, accs):
        kc = tc_v[pl.ds(k * 16, 16)]
        kl = tl_v[pl.ds(k * 16, 16)]
        ku = tu_v[pl.ds(k * 16, 16)]
        kd = td_v[pl.ds(k * 16, 16)]
        lc, lcol = resolve(kl)
        uc, ucol = resolve(ku)
        dc, dcol = resolve(kd)
        new_accs = []
        for g in range(NG):
            rg = rows[g]
            curr = plsc.load_gather(data_v, [rg, kc])
            left = plsc.load_gather(data_v, [jnp.where(lc, CROW, rg), lcol])
            up = plsc.load_gather(data_v, [jnp.where(uc, CROW, rg), ucol])
            diag = plsc.load_gather(data_v, [jnp.where(dc, CROW, rg), dcol])
            t = left - diag
            l2 = up - INV
            lower = jnp.maximum(jnp.maximum(left, l2), jnp.maximum(t + l2, 0.0))
            u_raw = jnp.minimum(up, t + up)
            new = jnp.maximum(jnp.minimum(curr, u_raw), lower)
            new_accs.append(accs[g] + jnp.abs(new - curr))
            plsc.store_scatter(data_v, [rg, kc], new)
        return tuple(new_accs)

    accs = lax.fori_loop(
        0, NT, body, tuple(jnp.zeros((16,), jnp.float32) for _ in range(NG))
    )
    tot = accs[0]
    for g in range(1, NG):
        tot = tot + accs[g]
    lw_v[...] = tot
    pltpu.sync_copy(data_v.at[pl.ds(0, BW), :], out_hbm.at[pl.ds(base, BW)])
    pltpu.sync_copy(lw_v, loss_hbm.at[wid])


@functools.partial(jax.jit, static_argnames=())
def _run(x):
    b = x.shape[0]
    tc, tl, tu, td = [jnp.asarray(t) for t in _TBLS]
    mesh = plsc.VectorSubcoreMesh(core_axis_name="c", subcore_axis_name="s")
    out, loss_parts = pl.kernel(
        _sc_kernel,
        out_type=[
            jax.ShapeDtypeStruct((b, NT), jnp.float32),
            jax.ShapeDtypeStruct((NW, 16), jnp.float32),
        ],
        mesh=mesh,
        compiler_params=pltpu.CompilerParams(
            use_tc_tiling_on_sc=False, needs_layout_passes=False
        ),
        scratch_types=[
            pltpu.VMEM((NR, NT), jnp.float32),
            pltpu.VMEM((NT * 16,), jnp.int32),
            pltpu.VMEM((NT * 16,), jnp.int32),
            pltpu.VMEM((NT * 16,), jnp.int32),
            pltpu.VMEM((NT * 16,), jnp.int32),
            pltpu.VMEM((16,), jnp.float32),
        ],
    )(x, tc, tl, tu, td)
    return out, SCALE * jnp.sum(loss_parts)


def kernel(x):
    return _run(x)

# --- scband reference (transcript-rebuilt; emitter-appended) ---
"""Pipeline reference for scband-fmatrix-layer-52226802319912 (READ-ONLY COPY).

The authoritative reference and input builder live on the scoring server;
editing this copy changes nothing except your own understanding.
"""

import jax, jax.numpy as jnp
import numpy as np

INPUT_DIM = 465
N = int((3 + (1 + 8 * INPUT_DIM) ** 0.5) / 2)  # 32
BATCH = 4096

_rows_list = []
_cols_list = []
for _c in range(N):
    for _r in range(_c + 2, N):
        _rows_list.append(_r)
        _cols_list.append(_c)
ROWS = jnp.asarray(np.array(_rows_list, dtype=np.int32))
COLS = jnp.asarray(np.array(_cols_list, dtype=np.int32))


def setup_inputs(seed: int = 0) -> dict:
    key = jax.random.key(seed)
    x = jax.random.uniform(key, (BATCH, INPUT_DIM), dtype=jnp.float32)
    return {"x": x}


def _forward(x):
    batch_size = x.shape[0]
    scale = float(N + 1)
    F_flat = x * scale
    F = jnp.zeros((batch_size, N, N), dtype=jnp.float32)
    # scatter deep lower triangle
    F = F.at[:, ROWS, COLS].set(F_flat)
    diag_idx = jnp.arange(N)
    F = F.at[:, diag_idx, diag_idx].set(diag_idx.astype(jnp.float32) + 2.0)
    sub_r = jnp.arange(1, N)
    sub_c = jnp.arange(0, N - 1)
    F = F.at[:, sub_r, sub_c].set(sub_c.astype(jnp.float32) + 1.0)

    total_correction_loss = jnp.zeros((), dtype=jnp.float32)
    for i in range(2, N):
        prev = F[:, i - 1, 0]
        curr = F[:, i, 0]
        lower = jnp.maximum(prev - 1.0, 0.0)
        upper = prev
        v_low = jax.nn.relu(lower - curr)
        v_high = jax.nn.relu(curr - upper)
        total_correction_loss = total_correction_loss + v_low.sum() + v_high.sum()
        F = F.at[:, i, 0].set(curr + v_low - v_high)
        if i >= 3:
            for j in range(1, i - 1):
                up = F[:, i - 1, j]
                left = F[:, i, j - 1]
                diag = F[:, i - 1, j - 1]
                curr_val = F[:, i, j]
                l1 = left
                l2 = up - 1.0
                l3 = left + up - diag - 1.0
                final_lower = jnp.maximum(jnp.maximum(l1, jnp.maximum(l2, l3)), 0.0)
                u1 = up
                u2 = left + up - diag
                final_upper = jnp.maximum(jnp.minimum(u1, u2), final_lower)
                v_low = jax.nn.relu(final_lower - curr_val)
                v_high = jax.nn.relu(curr_val - final_upper)
                total_correction_loss = total_correction_loss + v_low.sum() + v_high.sum()
                F = F.at[:, i, j].set(curr_val + v_low - v_high)
    F_out_flat = F[:, ROWS, COLS] / scale
    return F_out_flat, total_correction_loss

_forward_jit = jax.jit(_forward)


def reference(x):
    return _forward_jit(x)

if __name__ == "__main__":
    import jax
    _d = setup_inputs()
    print(jax.jit(kernel)(*tuple(_d.values())))

</pallas_src>

<mosaic_0001>
#map = affine_map<(d0, d1) -> (0, 0)>
#map1 = affine_map<(d0, d1) -> (0)>
module attributes {stable_mosaic.version = 14 : i64} {
  func.func @_sc_kernel(%arg0: i32, %arg1: i32, %arg2: memref<4096x465xf32, #tpu.memory_space<hbm>>, %arg3: memref<7440xi32, #tpu.memory_space<hbm>>, %arg4: memref<7440xi32, #tpu.memory_space<hbm>>, %arg5: memref<7440xi32, #tpu.memory_space<hbm>>, %arg6: memref<7440xi32, #tpu.memory_space<hbm>>, %arg7: memref<4096x465xf32, #tpu.memory_space<hbm>>, %arg8: memref<32x16xf32, #tpu.memory_space<hbm>>, %arg9: memref<136x465xf32, #tpu.memory_space<vmem>>, %arg10: memref<7440xi32, #tpu.memory_space<vmem>>, %arg11: memref<7440xi32, #tpu.memory_space<vmem>>, %arg12: memref<7440xi32, #tpu.memory_space<vmem>>, %arg13: memref<7440xi32, #tpu.memory_space<vmem>>, %arg14: memref<16xf32, #tpu.memory_space<vmem>>) attributes {dimension_semantics = [#tpu.dimension_semantics<core_parallel>, #tpu.dimension_semantics<subcore_parallel>], iteration_bounds = array<i64: 2, 16>, scalar_prefetch = 0 : i64, scratch_operands = 6 : i64, tpu.core_type = #tpu.core_type<sc_vector_subcore>, window_params = [{transform_indices = #map}, {transform_indices = #map1}, {transform_indices = #map1}, {transform_indices = #map1}, {transform_indices = #map1}, {transform_indices = #map}, {transform_indices = #map}]} {
    %mul3A = arith.constant 2 : i32
    %mul3A_0 = arith.muli %arg1, %mul3A : i32
    %add3A = arith.addi %mul3A_0, %arg0 : i32
    %mul3A_1 = arith.constant 128 : i32
    %mul3A_2 = arith.muli %add3A, %mul3A_1 : i32
    "tpu.region"() ({
      %run_scoped3A = tpu.sem_alloc : memref<!tpu.dma_semaphore, #tpu.memory_space<semaphore_mem>>
      %dma_start3A = arith.constant 0 : i32
      %dma_start3A_73 = arith.constant 0 : i32
      %dma_start3A_74 = tpu.memref_slice %arg9[%dma_start3A, %dma_start3A_73] : memref<136x465xf32, #tpu.memory_space<vmem>> -> memref<128x465xf32, #tpu.memory_space<vmem>>
      %dma_start3A_75 = arith.constant 0 : i32
      %dma_start3A_76 = tpu.memref_slice %arg2[%mul3A_2, %dma_start3A_75] : memref<4096x465xf32, #tpu.memory_space<hbm>> -> memref<128x465xf32, #tpu.memory_space<hbm>>
      %dma_start3A_77 = arith.constant 0 : i32
      %dma_start3A_78 = arith.constant 0 : i32
      %dma_start3A_79 = tpu.memref_slice %arg9[%dma_start3A_77, %dma_start3A_78] : memref<136x465xf32, #tpu.memory_space<vmem>> -> memref<128x465xf32, #tpu.memory_space<vmem>>
      %dma_start3A_80 = arith.constant 0 : i32
      %dma_start3A_81 = tpu.memref_slice %arg2[%mul3A_2, %dma_start3A_80] : memref<4096x465xf32, #tpu.memory_space<hbm>> -> memref<128x465xf32, #tpu.memory_space<hbm>>
      tpu.enqueue_dma source(%dma_start3A_81 : memref<128x465xf32, #tpu.memory_space<hbm>>) target(%dma_start3A_79 : memref<128x465xf32, #tpu.memory_space<vmem>>) target_semaphore(%run_scoped3A : memref<!tpu.dma_semaphore, #tpu.memory_space<semaphore_mem>>)
      %dma_wait3A = arith.constant 0 : i32
      %dma_wait3A_82 = arith.constant 0 : i32
      %dma_wait3A_83 = tpu.memref_slice %arg9[%dma_wait3A, %dma_wait3A_82] : memref<136x465xf32, #tpu.memory_space<vmem>> -> memref<128x465xf32, #tpu.memory_space<vmem>>
      %dma_wait3A_84 = arith.constant 0 : i32
      %dma_wait3A_85 = tpu.memref_slice %arg2[%mul3A_2, %dma_wait3A_84] : memref<4096x465xf32, #tpu.memory_space<hbm>> -> memref<128x465xf32, #tpu.memory_space<hbm>>
      %dma_wait3A_86 = arith.constant 0 : i32
      %dma_wait3A_87 = arith.constant 0 : i32
      %dma_wait3A_88 = tpu.memref_slice %arg9[%dma_wait3A_86, %dma_wait3A_87] : memref<136x465xf32, #tpu.memory_space<vmem>> -> memref<128x465xf32, #tpu.memory_space<vmem>>
      %dma_wait3A_89 = arith.constant 0 : i32
      %dma_wait3A_90 = tpu.memref_slice %arg2[%mul3A_2, %dma_wait3A_89] : memref<4096x465xf32, #tpu.memory_space<hbm>> -> memref<128x465xf32, #tpu.memory_space<hbm>>
      tpu.wait_dma2 semaphore(%run_scoped3A : memref<!tpu.dma_semaphore, #tpu.memory_space<semaphore_mem>>) src(%dma_wait3A_90 : memref<128x465xf32, #tpu.memory_space<hbm>>) dst(%dma_wait3A_88 : memref<128x465xf32, #tpu.memory_space<vmem>>)
      tpu.yield
    }) : () -> ()
    "tpu.region"() ({
      %run_scoped3A = tpu.sem_alloc : memref<!tpu.dma_semaphore, #tpu.memory_space<semaphore_mem>>
      tpu.enqueue_dma source(%arg3 : memref<7440xi32, #tpu.memory_space<hbm>>) target(%arg10 : memref<7440xi32, #tpu.memory_space<vmem>>) target_semaphore(%run_scoped3A : memref<!tpu.dma_semaphore, #tpu.memory_space<semaphore_mem>>)
      tpu.wait_dma2 semaphore(%run_scoped3A : memref<!tpu.dma_semaphore, #tpu.memory_space<semaphore_mem>>) src(%arg3 : memref<7440xi32, #tpu.memory_space<hbm>>) dst(%arg10 : memref<7440xi32, #tpu.memory_space<vmem>>)
      tpu.yield
    }) : () -> ()
    "tpu.region"() ({
      %run_scoped3A = tpu.sem_alloc : memref<!tpu.dma_semaphore, #tpu.memory_space<semaphore_mem>>
      tpu.enqueue_dma source(%arg4 : memref<7440xi32, #tpu.memory_space<hbm>>) target(%arg11 : memref<7440xi32, #tpu.memory_space<vmem>>) target_semaphore(%run_scoped3A : memref<!tpu.dma_semaphore, #tpu.memory_space<semaphore_mem>>)
      tpu.wait_dma2 semaphore(%run_scoped3A : memref<!tpu.dma_semaphore, #tpu.memory_space<semaphore_mem>>) src(%arg4 : memref<7440xi32, #tpu.memory_space<hbm>>) dst(%arg11 : memref<7440xi32, #tpu.memory_space<vmem>>)
      tpu.yield
    }) : () -> ()
    "tpu.region"() ({
      %run_scoped3A = tpu.sem_alloc : memref<!tpu.dma_semaphore, #tpu.memory_space<semaphore_mem>>
      tpu.enqueue_dma source(%arg5 : memref<7440xi32, #tpu.memory_space<hbm>>) target(%arg12 : memref<7440xi32, #tpu.memory_space<vmem>>) target_semaphore(%run_scoped3A : memref<!tpu.dma_semaphore, #tpu.memory_space<semaphore_mem>>)
      tpu.wait_dma2 semaphore(%run_scoped3A : memref<!tpu.dma_semaphore, #tpu.memory_space<semaphore_mem>>) src(%arg5 : memref<7440xi32, #tpu.memory_space<hbm>>) dst(%arg12 : memref<7440xi32, #tpu.memory_space<vmem>>)
      tpu.yield
    }) : () -> ()
    "tpu.region"() ({
      %run_scoped3A = tpu.sem_alloc : memref<!tpu.dma_semaphore, #tpu.memory_space<semaphore_mem>>
      tpu.enqueue_dma source(%arg6 : memref<7440xi32, #tpu.memory_space<hbm>>) target(%arg13 : memref<7440xi32, #tpu.memory_space<vmem>>) target_semaphore(%run_scoped3A : memref<!tpu.dma_semaphore, #tpu.memory_space<semaphore_mem>>)
      tpu.wait_dma2 semaphore(%run_scoped3A : memref<!tpu.dma_semaphore, #tpu.memory_space<semaphore_mem>>) src(%arg6 : memref<7440xi32, #tpu.memory_space<hbm>>) dst(%arg13 : memref<7440xi32, #tpu.memory_space<vmem>>)
      tpu.yield
    }) : () -> ()
    %iota3A = tpu.iota {dimensions = array<i32: 0>} : vector<16xi32>
    %mul3A_3 = arith.constant 0 : i32
    %mul3A_4 = vector.broadcast %mul3A_3 : i32 to vector<16xi32>
    %mul3A_5 = arith.muli %iota3A, %mul3A_4 : vector<16xi32>
    %add3A_6 = arith.constant 128 : i32
    %add3A_7 = vector.broadcast %add3A_6 : i32 to vector<16xi32>
    %add3A_8 = arith.addi %mul3A_5, %add3A_7 : vector<16xi32>
    %convert_element_type3A = arith.sitofp %iota3A : vector<16xi32> to vector<16xf32>
    %mul3A_9 = arith.constant 0.0303030312 : f32
    %mul3A_10 = vector.broadcast %mul3A_9 : f32 to vector<16xf32>
    %mul3A_11 = arith.mulf %convert_element_type3A, %mul3A_10 : vector<16xf32>
    tpu.vector_store_idx %arg9[%add3A_8, %iota3A], %mul3A_11 : memref<136x465xf32, #tpu.memory_space<vmem>>[vector<16xi32>, vector<16xi32>], vector<16xf32>,
    %add3A_12 = arith.constant 16 : i32
    %add3A_13 = vector.broadcast %add3A_12 : i32 to vector<16xi32>
    %add3A_14 = arith.addi %iota3A, %add3A_13 : vector<16xi32>
    %add3A_15 = arith.constant 1.600000e+01 : f32
    %add3A_16 = vector.broadcast %add3A_15 : f32 to vector<16xf32>
    %add3A_17 = arith.addf %convert_element_type3A, %add3A_16 : vector<16xf32>
    %mul3A_18 = arith.constant 0.0303030312 : f32
    %mul3A_19 = vector.broadcast %mul3A_18 : f32 to vector<16xf32>
    %mul3A_20 = arith.mulf %add3A_17, %mul3A_19 : vector<16xf32>
    tpu.vector_store_idx %arg9[%add3A_8, %add3A_14], %mul3A_20 : memref<136x465xf32, #tpu.memory_space<vmem>>[vector<16xi32>, vector<16xi32>], vector<16xf32>,
    %add3A_21 = arith.constant 0 : i32
    %add3A_22 = vector.broadcast %add3A_21 : i32 to vector<16xi32>
    %add3A_23 = arith.addi %iota3A, %add3A_22 : vector<16xi32>
    %add3A_24 = arith.constant 16 : i32
    %add3A_25 = vector.broadcast %add3A_24 : i32 to vector<16xi32>
    %add3A_26 = arith.addi %iota3A, %add3A_25 : vector<16xi32>
    %add3A_27 = arith.constant 32 : i32
    %add3A_28 = vector.broadcast %add3A_27 : i32 to vector<16xi32>
    %add3A_29 = arith.addi %iota3A, %add3A_28 : vector<16xi32>
    %add3A_30 = arith.constant 48 : i32
    %add3A_31 = vector.broadcast %add3A_30 : i32 to vector<16xi32>
    %add3A_32 = arith.addi %iota3A, %add3A_31 : vector<16xi32>
    %add3A_33 = arith.constant 64 : i32
    %add3A_34 = vector.broadcast %add3A_33 : i32 to vector<16xi32>
    %add3A_35 = arith.addi %iota3A, %add3A_34 : vector<16xi32>
    %add3A_36 = arith.constant 80 : i32
    %add3A_37 = vector.broadcast %add3A_36 : i32 to vector<16xi32>
    %add3A_38 = arith.addi %iota3A, %add3A_37 : vector<16xi32>
    %add3A_39 = arith.constant 96 : i32
    %add3A_40 = vector.broadcast %add3A_39 : i32 to vector<16xi32>
    %add3A_41 = arith.addi %iota3A, %add3A_40 : vector<16xi32>
    %add3A_42 = arith.constant 112 : i32
    %add3A_43 = vector.broadcast %add3A_42 : i32 to vector<16xi32>
    %add3A_44 = arith.addi %iota3A, %add3A_43 : vector<16xi32>
    %broadcast_in_dim3A = arith.constant 0.000000e+00 : f32
    %broadcast_in_dim3A_45 = vector.broadcast %broadcast_in_dim3A : f32 to vector<16xf32>
    %broadcast_in_dim3A_46 = arith.constant 0.000000e+00 : f32
    %broadcast_in_dim3A_47 = vector.broadcast %broadcast_in_dim3A_46 : f32 to vector<16xf32>
    %broadcast_in_dim3A_48 = arith.constant 0.000000e+00 : f32
    %broadcast_in_dim3A_49 = vector.broadcast %broadcast_in_dim3A_48 : f32 to vector<16xf32>
    %broadcast_in_dim3A_50 = arith.constant 0.000000e+00 : f32
    %broadcast_in_dim3A_51 = vector.broadcast %broadcast_in_dim3A_50 : f32 to vector<16xf32>
    %broadcast_in_dim3A_52 = arith.constant 0.000000e+00 : f32
    %broadcast_in_dim3A_53 = vector.broadcast %broadcast_in_dim3A_52 : f32 to vector<16xf32>
    %broadcast_in_dim3A_54 = arith.constant 0.000000e+00 : f32
    %broadcast_in_dim3A_55 = vector.broadcast %broadcast_in_dim3A_54 : f32 to vector<16xf32>
    %broadcast_in_dim3A_56 = arith.constant 0.000000e+00 : f32
    %broadcast_in_dim3A_57 = vector.broadcast %broadcast_in_dim3A_56 : f32 to vector<16xf32>
    %broadcast_in_dim3A_58 = arith.constant 0.000000e+00 : f32
    %broadcast_in_dim3A_59 = vector.broadcast %broadcast_in_dim3A_58 : f32 to vector<16xf32>
    %scan3A = arith.constant 0 : i32
    %scan3A_60 = arith.constant 465 : i32
    %scan3A_61 = arith.addi %scan3A, %scan3A_60 : i32
    %scan3A_62 = arith.constant 1 : i32
    %scan3A_63:8 = scf.for %scan3A_73 = %scan3A to %scan3A_61 step %scan3A_62 iter_args(%scan3A_74 = %broadcast_in_dim3A_45, %scan3A_75 = %broadcast_in_dim3A_47, %scan3A_76 = %broadcast_in_dim3A_49, %scan3A_77 = %broadcast_in_dim3A_51, %scan3A_78 = %broadcast_in_dim3A_53, %scan3A_79 = %broadcast_in_dim3A_55, %scan3A_80 = %broadcast_in_dim3A_57, %scan3A_81 = %broadcast_in_dim3A_59) -> (vector<16xf32>, vector<16xf32>, vector<16xf32>, vector<16xf32>, vector<16xf32>, vector<16xf32>, vector<16xf32>, vector<16xf32>)  : i32 {
      %mul3A_82 = arith.constant 16 : i32
      %mul3A_83 = arith.muli %scan3A_73, %mul3A_82 : i32
      %get3A = arith.index_cast %mul3A_83 : i32 to index
      %get3A_84 = tpu.vector_load %arg10[%get3A] {strides = array<i32>} : memref<7440xi32, #tpu.memory_space<vmem>>, vector<16xi32>,
      %mul3A_85 = arith.constant 16 : i32
      %mul3A_86 = arith.muli %scan3A_73, %mul3A_85 : i32
      %get3A_87 = arith.index_cast %mul3A_86 : i32 to index
      %get3A_88 = tpu.vector_load %arg11[%get3A_87] {strides = array<i32>} : memref<7440xi32, #tpu.memory_space<vmem>>, vector<16xi32>,
      %mul3A_89 = arith.constant 16 : i32
      %mul3A_90 = arith.muli %scan3A_73, %mul3A_89 : i32
      %get3A_91 = arith.index_cast %mul3A_90 : i32 to index
      %get3A_92 = tpu.vector_load %arg12[%get3A_91] {strides = array<i32>} : memref<7440xi32, #tpu.memory_space<vmem>>, vector<16xi32>,
      %mul3A_93 = arith.constant 16 : i32
      %mul3A_94 = arith.muli %scan3A_73, %mul3A_93 : i32
      %get3A_95 = arith.index_cast %mul3A_94 : i32 to index
      %get3A_96 = tpu.vector_load %arg13[%get3A_95] {strides = array<i32>} : memref<7440xi32, #tpu.memory_space<vmem>>, vector<16xi32>,
      %ge3A = arith.constant 465 : i32
      %ge3A_97 = vector.broadcast %ge3A : i32 to vector<16xi32>
      %ge3A_98 = arith.cmpi sge, %get3A_88, %ge3A_97 : vector<16xi32>
      %sub3A = arith.constant 465 : i32
      %sub3A_99 = vector.broadcast %sub3A : i32 to vector<16xi32>
      %sub3A_100 = arith.subi %get3A_88, %sub3A_99 : vector<16xi32>
      %select_n3A = arith.select %ge3A_98, %sub3A_100, %get3A_88 : vector<16xi1>, vector<16xi32>
      %ge3A_101 = arith.constant 465 : i32
      %ge3A_102 = vector.broadcast %ge3A_101 : i32 to vector<16xi32>
      %ge3A_103 = arith.cmpi sge, %get3A_92, %ge3A_102 : vector<16xi32>
      %sub3A_104 = arith.constant 465 : i32
      %sub3A_105 = vector.broadcast %sub3A_104 : i32 to vector<16xi32>
      %sub3A_106 = arith.subi %get3A_92, %sub3A_105 : vector<16xi32>
      %select_n3A_107 = arith.select %ge3A_103, %sub3A_106, %get3A_92 : vector<16xi1>, vector<16xi32>
      %ge3A_108 = arith.constant 465 : i32
      %ge3A_109 = vector.broadcast %ge3A_108 : i32 to vector<16xi32>
      %ge3A_110 = arith.cmpi sge, %get3A_96, %ge3A_109 : vector<16xi32>
      %sub3A_111 = arith.constant 465 : i32
      %sub3A_112 = vector.broadcast %sub3A_111 : i32 to vector<16xi32>
      %sub3A_113 = arith.subi %get3A_96, %sub3A_112 : vector<16xi32>
      %select_n3A_114 = arith.select %ge3A_110, %sub3A_113, %get3A_96 : vector<16xi1>, vector<16xi32>
      %gather3A = tpu.vector_load_idx %arg9[%add3A_23, %get3A_84] : memref<136x465xf32, #tpu.memory_space<vmem>>[vector<16xi32>, vector<16xi32>], vector<16xf32>,
      %jit3A = arith.constant 128 : i32
      %broadcast_in_dim3A_115 = vector.broadcast %jit3A : i32 to vector<16xi32>
      %select_n3A_116 = arith.select %ge3A_98, %broadcast_in_dim3A_115, %add3A_23 : vector<16xi1>, vector<16xi32>
      %gather3A_117 = tpu.vector_load_idx %arg9[%select_n3A_116, %select_n3A] : memref<136x465xf32, #tpu.memory_space<vmem>>[vector<16xi32>, vector<16xi32>], vector<16xf32>,
      %jit3A_118 = arith.constant 128 : i32
      %broadcast_in_dim3A_119 = vector.broadcast %jit3A_118 : i32 to vector<16xi32>
      %select_n3A_120 = arith.select %ge3A_103, %broadcast_in_dim3A_119, %add3A_23 : vector<16xi1>, vector<16xi32>
      %gather3A_121 = tpu.vector_load_idx %arg9[%select_n3A_120, %select_n3A_107] : memref<136x465xf32, #tpu.memory_space<vmem>>[vector<16xi32>, vector<16xi32>], vector<16xf32>,
      %jit3A_122 = arith.constant 128 : i32
      %broadcast_in_dim3A_123 = vector.broadcast %jit3A_122 : i32 to vector<16xi32>
      %select_n3A_124 = arith.select %ge3A_110, %broadcast_in_dim3A_123, %add3A_23 : vector<16xi1>, vector<16xi32>
      %gather3A_125 = tpu.vector_load_idx %arg9[%select_n3A_124, %select_n3A_114] : memref<136x465xf32, #tpu.memory_space<vmem>>[vector<16xi32>, vector<16xi32>], vector<16xf32>,
      %sub3A_126 = arith.subf %gather3A_117, %gather3A_125 : vector<16xf32>
      %sub3A_127 = arith.constant 0.0303030312 : f32
      %sub3A_128 = vector.broadcast %sub3A_127 : f32 to vector<16xf32>
      %sub3A_129 = arith.subf %gather3A_121, %sub3A_128 : vector<16xf32>
      %max3A = arith.maximumf %gather3A_117, %sub3A_129 : vector<16xf32>
      %add3A_130 = arith.addf %sub3A_126, %sub3A_129 : vector<16xf32>
      %max3A_131 = arith.constant 0.000000e+00 : f32
      %max3A_132 = vector.broadcast %max3A_131 : f32 to vector<16xf32>
      %max3A_133 = arith.maximumf %add3A_130, %max3A_132 : vector<16xf32>
      %max3A_134 = arith.maximumf %max3A, %max3A_133 : vector<16xf32>
      %add3A_135 = arith.addf %sub3A_126, %gather3A_121 : vector<16xf32>
      %min3A = arith.minimumf %gather3A_121, %add3A_135 : vector<16xf32>
      %min3A_136 = arith.minimumf %gather3A, %min3A : vector<16xf32>
      %max3A_137 = arith.maximumf %min3A_136, %max3A_134 : vector<16xf32>
      %sub3A_138 = arith.subf %max3A_137, %gather3A : vector<16xf32>
      %abs3A = math.absf %sub3A_138 : vector<16xf32>
      %add3A_139 = arith.addf %scan3A_74, %abs3A : vector<16xf32>
      tpu.vector_store_idx %arg9[%add3A_23, %get3A_84], %max3A_137 : memref<136x465xf32, #tpu.memory_space<vmem>>[vector<16xi32>, vector<16xi32>], vector<16xf32>,
      %gather3A_140 = tpu.vector_load_idx %arg9[%add3A_26, %get3A_84] : memref<136x465xf32, #tpu.memory_space<vmem>>[vector<16xi32>, vector<16xi32>], vector<16xf32>,
      %jit3A_141 = arith.constant 128 : i32
      %broadcast_in_dim3A_142 = vector.broadcast %jit3A_141 : i32 to vector<16xi32>
      %select_n3A_143 = arith.select %ge3A_98, %broadcast_in_dim3A_142, %add3A_26 : vector<16xi1>, vector<16xi32>
      %gather3A_144 = tpu.vector_load_idx %arg9[%select_n3A_143, %select_n3A] : memref<136x465xf32, #tpu.memory_space<vmem>>[vector<16xi32>, vector<16xi32>], vector<16xf32>,
      %jit3A_145 = arith.constant 128 : i32
      %broadcast_in_dim3A_146 = vector.broadcast %jit3A_145 : i32 to vector<16xi32>
      %select_n3A_147 = arith.select %ge3A_103, %broadcast_in_dim3A_146, %add3A_26 : vector<16xi1>, vector<16xi32>
      %gather3A_148 = tpu.vector_load_idx %arg9[%select_n3A_147, %select_n3A_107] : memref<136x465xf32, #tpu.memory_space<vmem>>[vector<16xi32>, vector<16xi32>], vector<16xf32>,
      %jit3A_149 = arith.constant 128 : i32
      %broadcast_in_dim3A_150 = vector.broadcast %jit3A_149 : i32 to vector<16xi32>
      %select_n3A_151 = arith.select %ge3A_110, %broadcast_in_dim3A_150, %add3A_26 : vector<16xi1>, vector<16xi32>
      %gather3A_152 = tpu.vector_load_idx %arg9[%select_n3A_151, %select_n3A_114] : memref<136x465xf32, #tpu.memory_space<vmem>>[vector<16xi32>, vector<16xi32>], vector<16xf32>,
      %sub3A_153 = arith.subf %gather3A_144, %gather3A_152 : vector<16xf32>
      %sub3A_154 = arith.constant 0.0303030312 : f32
      %sub3A_155 = vector.broadcast %sub3A_154 : f32 to vector<16xf32>
      %sub3A_156 = arith.subf %gather3A_148, %sub3A_155 : vector<16xf32>
      %max3A_157 = arith.maximumf %gather3A_144, %sub3A_156 : vector<16xf32>
      %add3A_158 = arith.addf %sub3A_153, %sub3A_156 : vector<16xf32>
      %max3A_159 = arith.constant 0.000000e+00 : f32
      %max3A_160 = vector.broadcast %max3A_159 : f32 to vector<16xf32>
      %max3A_161 = arith.maximumf %add3A_158, %max3A_160 : vector<16xf32>
      %max3A_162 = arith.maximumf %max3A_157, %max3A_161 : vector<16xf32>
      %add3A_163 = arith.addf %sub3A_153, %gather3A_148 : vector<16xf32>
      %min3A_164 = arith.minimumf %gather3A_148, %add3A_163 : vector<16xf32>
      %min3A_165 = arith.minimumf %gather3A_140, %min3A_164 : vector<16xf32>
      %max3A_166 = arith.maximumf %min3A_165, %max3A_162 : vector<16xf32>
      %sub3A_167 = arith.subf %max3A_166, %gather3A_140 : vector<16xf32>
      %abs3A_168 = math.absf %sub3A_167 : vector<16xf32>
      %add3A_169 = arith.addf %scan3A_75, %abs3A_168 : vector<16xf32>
      tpu.vector_store_idx %arg9[%add3A_26, %get3A_84], %max3A_166 : memref<136x465xf32, #tpu.memory_space<vmem>>[vector<16xi32>, vector<16xi32>], vector<16xf32>,
      %gather3A_170 = tpu.vector_load_idx %arg9[%add3A_29, %get3A_84] : memref<136x465xf32, #tpu.memory_space<vmem>>[vector<16xi32>, vector<16xi32>], vector<16xf32>,
      %jit3A_171 = arith.constant 128 : i32
      %broadcast_in_dim3A_172 = vector.broadcast %jit3A_171 : i32 to vector<16xi32>
      %select_n3A_173 = arith.select %ge3A_98, %broadcast_in_dim3A_172, %add3A_29 : vector<16xi1>, vector<16xi32>
      %gather3A_174 = tpu.vector_load_idx %arg9[%select_n3A_173, %select_n3A] : memref<136x465xf32, #tpu.memory_space<vmem>>[vector<16xi32>, vector<16xi32>], vector<16xf32>,
      %jit3A_175 = arith.constant 128 : i32
      %broadcast_in_dim3A_176 = vector.broadcast %jit3A_175 : i32 to vector<16xi32>
      %select_n3A_177 = arith.select %ge3A_103, %broadcast_in_dim3A_176, %add3A_29 : vector<16xi1>, vector<16xi32>
      %gather3A_178 = tpu.vector_load_idx %arg9[%select_n3A_177, %select_n3A_107] : memref<136x465xf32, #tpu.memory_space<vmem>>[vector<16xi32>, vector<16xi32>], vector<16xf32>,
      %jit3A_179 = arith.constant 128 : i32
      %broadcast_in_dim3A_180 = vector.broadcast %jit3A_179 : i32 to vector<16xi32>
      %select_n3A_181 = arith.select %ge3A_110, %broadcast_in_dim3A_180, %add3A_29 : vector<16xi1>, vector<16xi32>
      %gather3A_182 = tpu.vector_load_idx %arg9[%select_n3A_181, %select_n3A_114] : memref<136x465xf32, #tpu.memory_space<vmem>>[vector<16xi32>, vector<16xi32>], vector<16xf32>,
      %sub3A_183 = arith.subf %gather3A_174, %gather3A_182 : vector<16xf32>
      %sub3A_184 = arith.constant 0.0303030312 : f32
      %sub3A_185 = vector.broadcast %sub3A_184 : f32 to vector<16xf32>
      %sub3A_186 = arith.subf %gather3A_178, %sub3A_185 : vector<16xf32>
      %max3A_187 = arith.maximumf %gather3A_174, %sub3A_186 : vector<16xf32>
      %add3A_188 = arith.addf %sub3A_183, %sub3A_186 : vector<16xf32>
      %max3A_189 = arith.constant 0.000000e+00 : f32
      %max3A_190 = vector.broadcast %max3A_189 : f32 to vector<16xf32>
      %max3A_191 = arith.maximumf %add3A_188, %max3A_190 : vector<16xf32>
      %max3A_192 = arith.maximumf %max3A_187, %max3A_191 : vector<16xf32>
      %add3A_193 = arith.addf %sub3A_183, %gather3A_178 : vector<16xf32>
      %min3A_194 = arith.minimumf %gather3A_178, %add3A_193 : vector<16xf32>
      %min3A_195 = arith.minimumf %gather3A_170, %min3A_194 : vector<16xf32>
      %max3A_196 = arith.maximumf %min3A_195, %max3A_192 : vector<16xf32>
      %sub3A_197 = arith.subf %max3A_196, %gather3A_170 : vector<16xf32>
      %abs3A_198 = math.absf %sub3A_197 : vector<16xf32>
      %add3A_199 = arith.addf %scan3A_76, %abs3A_198 : vector<16xf32>
      tpu.vector_store_idx %arg9[%add3A_29, %get3A_84], %max3A_196 : memref<136x465xf32, #tpu.memory_space<vmem>>[vector<16xi32>, vector<16xi32>], vector<16xf32>,
      %gather3A_200 = tpu.vector_load_idx %arg9[%add3A_32, %get3A_84] : memref<136x465xf32, #tpu.memory_space<vmem>>[vector<16xi32>, vector<16xi32>], vector<16xf32>,
      %jit3A_201 = arith.constant 128 : i32
      %broadcast_in_dim3A_202 = vector.broadcast %jit3A_201 : i32 to vector<16xi32>
      %select_n3A_203 = arith.select %ge3A_98, %broadcast_in_dim3A_202, %add3A_32 : vector<16xi1>, vector<16xi32>
      %gather3A_204 = tpu.vector_load_idx %arg9[%select_n3A_203, %select_n3A] : memref<136x465xf32, #tpu.memory_space<vmem>>[vector<16xi32>, vector<16xi32>], vector<16xf32>,
      %jit3A_205 = arith.constant 128 : i32
      %broadcast_in_dim3A_206 = vector.broadcast %jit3A_205 : i32 to vector<16xi32>
      %select_n3A_207 = arith.select %ge3A_103, %broadcast_in_dim3A_206, %add3A_32 : vector<16xi1>, vector<16xi32>
      %gather3A_208 = tpu.vector_load_idx %arg9[%select_n3A_207, %select_n3A_107] : memref<136x465xf32, #tpu.memory_space<vmem>>[vector<16xi32>, vector<16xi32>], vector<16xf32>,
      %jit3A_209 = arith.constant 128 : i32
      %broadcast_in_dim3A_210 = vector.broadcast %jit3A_209 : i32 to vector<16xi32>
      %select_n3A_211 = arith.select %ge3A_110, %broadcast_in_dim3A_210, %add3A_32 : vector<16xi1>, vector<16xi32>
      %gather3A_212 = tpu.vector_load_idx %arg9[%select_n3A_211, %select_n3A_114] : memref<136x465xf32, #tpu.memory_space<vmem>>[vector<16xi32>, vector<16xi32>], vector<16xf32>,
      %sub3A_213 = arith.subf %gather3A_204, %gather3A_212 : vector<16xf32>
      %sub3A_214 = arith.constant 0.0303030312 : f32
      %sub3A_215 = vector.broadcast %sub3A_214 : f32 to vector<16xf32>
      %sub3A_216 = arith.subf %gather3A_208, %sub3A_215 : vector<16xf32>
      %max3A_217 = arith.maximumf %gather3A_204, %sub3A_216 : vector<16xf32>
      %add3A_218 = arith.addf %sub3A_213, %sub3A_216 : vector<16xf32>
      %max3A_219 = arith.constant 0.000000e+00 : f32
      %max3A_220 = vector.broadcast %max3A_219 : f32 to vector<16xf32>
      %max3A_221 = arith.maximumf %add3A_218, %max3A_220 : vector<16xf32>
      %max3A_222 = arith.maximumf %max3A_217, %max3A_221 : vector<16xf32>
      %add3A_223 = arith.addf %sub3A_213, %gather3A_208 : vector<16xf32>
      %min3A_224 = arith.minimumf %gather3A_208, %add3A_223 : vector<16xf32>
      %min3A_225 = arith.minimumf %gather3A_200, %min3A_224 : vector<16xf32>
      %max3A_226 = arith.maximumf %min3A_225, %max3A_222 : vector<16xf32>
      %sub3A_227 = arith.subf %max3A_226, %gather3A_200 : vector<16xf32>
      %abs3A_228 = math.absf %sub3A_227 : vector<16xf32>
      %add3A_229 = arith.addf %scan3A_77, %abs3A_228 : vector<16xf32>
      tpu.vector_store_idx %arg9[%add3A_32, %get3A_84], %max3A_226 : memref<136x465xf32, #tpu.memory_space<vmem>>[vector<16xi32>, vector<16xi32>], vector<16xf32>,
      %gather3A_230 = tpu.vector_load_idx %arg9[%add3A_35, %get3A_84] : memref<136x465xf32, #tpu.memory_space<vmem>>[vector<16xi32>, vector<16xi32>], vector<16xf32>,
      %jit3A_231 = arith.constant 128 : i32
      %broadcast_in_dim3A_232 = vector.broadcast %jit3A_231 : i32 to vector<16xi32>
      %select_n3A_233 = arith.select %ge3A_98, %broadcast_in_dim3A_232, %add3A_35 : vector<16xi1>, vector<16xi32>
      %gather3A_234 = tpu.vector_load_idx %arg9[%select_n3A_233, %select_n3A] : memref<136x465xf32, #tpu.memory_space<vmem>>[vector<16xi32>, vector<16xi32>], vector<16xf32>,
      %jit3A_235 = arith.constant 128 : i32
      %broadcast_in_dim3A_236 = vector.broadcast %jit3A_235 : i32 to vector<16xi32>
      %select_n3A_237 = arith.select %ge3A_103, %broadcast_in_dim3A_236, %add3A_35 : vector<16xi1>, vector<16xi32>
      %gather3A_238 = tpu.vector_load_idx %arg9[%select_n3A_237, %select_n3A_107] : memref<136x465xf32, #tpu.memory_space<vmem>>[vector<16xi32>, vector<16xi32>], vector<16xf32>,
      %jit3A_239 = arith.constant 128 : i32
      %broadcast_in_dim3A_240 = vector.broadcast %jit3A_239 : i32 to vector<16xi32>
      %select_n3A_241 = arith.select %ge3A_110, %broadcast_in_dim3A_240, %add3A_35 : vector<16xi1>, vector<16xi32>
      %gather3A_242 = tpu.vector_load_idx %arg9[%select_n3A_241, %select_n3A_114] : memref<136x465xf32, #tpu.memory_space<vmem>>[vector<16xi32>, vector<16xi32>], vector<16xf32>,
      %sub3A_243 = arith.subf %gather3A_234, %gather3A_242 : vector<16xf32>
      %sub3A_244 = arith.constant 0.0303030312 : f32
      %sub3A_245 = vector.broadcast %sub3A_244 : f32 to vector<16xf32>
      %sub3A_246 = arith.subf %gather3A_238, %sub3A_245 : vector<16xf32>
      %max3A_247 = arith.maximumf %gather3A_234, %sub3A_246 : vector<16xf32>
      %add3A_248 = arith.addf %sub3A_243, %sub3A_246 : vector<16xf32>
      %max3A_249 = arith.constant 0.000000e+00 : f32
      %max3A_250 = vector.broadcast %max3A_249 : f32 to vector<16xf32>
      %max3A_251 = arith.maximumf %add3A_248, %max3A_250 : vector<16xf32>
      %max3A_252 = arith.maximumf %max3A_247, %max3A_251 : vector<16xf32>
      %add3A_253 = arith.addf %sub3A_243, %gather3A_238 : vector<16xf32>
      %min3A_254 = arith.minimumf %gather3A_238, %add3A_253 : vector<16xf32>
      %min3A_255 = arith.minimumf %gather3A_230, %min3A_254 : vector<16xf32>
      %max3A_256 = arith.maximumf %min3A_255, %max3A_252 : vector<16xf32>
      %sub3A_257 = arith.subf %max3A_256, %gather3A_230 : vector<16xf32>
      %abs3A_258 = math.absf %sub3A_257 : vector<16xf32>
      %add3A_259 = arith.addf %scan3A_78, %abs3A_258 : vector<16xf32>
      tpu.vector_store_idx %arg9[%add3A_35, %get3A_84], %max3A_256 : memref<136x465xf32, #tpu.memory_space<vmem>>[vector<16xi32>, vector<16xi32>], vector<16xf32>,
      %gather3A_260 = tpu.vector_load_idx %arg9[%add3A_38, %get3A_84] : memref<136x465xf32, #tpu.memory_space<vmem>>[vector<16xi32>, vector<16xi32>], vector<16xf32>,
      %jit3A_261 = arith.constant 128 : i32
      %broadcast_in_dim3A_262 = vector.broadcast %jit3A_261 : i32 to vector<16xi32>
      %select_n3A_263 = arith.select %ge3A_98, %broadcast_in_dim3A_262, %add3A_38 : vector<16xi1>, vector<16xi32>
      %gather3A_264 = tpu.vector_load_idx %arg9[%select_n3A_263, %select_n3A] : memref<136x465xf32, #tpu.memory_space<vmem>>[vector<16xi32>, vector<16xi32>], vector<16xf32>,
      %jit3A_265 = arith.constant 128 : i32
      %broadcast_in_dim3A_266 = vector.broadcast %jit3A_265 : i32 to vector<16xi32>
      %select_n3A_267 = arith.select %ge3A_103, %broadcast_in_dim3A_266, %add3A_38 : vector<16xi1>, vector<16xi32>
      %gather3A_268 = tpu.vector_load_idx %arg9[%select_n3A_267, %select_n3A_107] : memref<136x465xf32, #tpu.memory_space<vmem>>[vector<16xi32>, vector<16xi32>], vector<16xf32>,
      %jit3A_269 = arith.constant 128 : i32
      %broadcast_in_dim3A_270 = vector.broadcast %jit3A_269 : i32 to vector<16xi32>
      %select_n3A_271 = arith.select %ge3A_110, %broadcast_in_dim3A_270, %add3A_38 : vector<16xi1>, vector<16xi32>
      %gather3A_272 = tpu.vector_load_idx %arg9[%select_n3A_271, %select_n3A_114] : memref<136x465xf32, #tpu.memory_space<vmem>>[vector<16xi32>, vector<16xi32>], vector<16xf32>,
      %sub3A_273 = arith.subf %gather3A_264, %gather3A_272 : vector<16xf32>
      %sub3A_274 = arith.constant 0.0303030312 : f32
      %sub3A_275 = vector.broadcast %sub3A_274 : f32 to vector<16xf32>
      %sub3A_276 = arith.subf %gather3A_268, %sub3A_275 : vector<16xf32>
      %max3A_277 = arith.maximumf %gather3A_264, %sub3A_276 : vector<16xf32>
      %add3A_278 = arith.addf %sub3A_273, %sub3A_276 : vector<16xf32>
      %max3A_279 = arith.constant 0.000000e+00 : f32
      %max3A_280 = vector.broadcast %max3A_279 : f32 to vector<16xf32>
      %max3A_281 = arith.maximumf %add3A_278, %max3A_280 : vector<16xf32>
      %max3A_282 = arith.maximumf %max3A_277, %max3A_281 : vector<16xf32>
      %add3A_283 = arith.addf %sub3A_273, %gather3A_268 : vector<16xf32>
      %min3A_284 = arith.minimumf %gather3A_268, %add3A_283 : vector<16xf32>
      %min3A_285 = arith.minimumf %gather3A_260, %min3A_284 : vector<16xf32>
      %max3A_286 = arith.maximumf %min3A_285, %max3A_282 : vector<16xf32>
      %sub3A_287 = arith.subf %max3A_286, %gather3A_260 : vector<16xf32>
      %abs3A_288 = math.absf %sub3A_287 : vector<16xf32>
      %add3A_289 = arith.addf %scan3A_79, %abs3A_288 : vector<16xf32>
      tpu.vector_store_idx %arg9[%add3A_38, %get3A_84], %max3A_286 : memref<136x465xf32, #tpu.memory_space<vmem>>[vector<16xi32>, vector<16xi32>], vector<16xf32>,
      %gather3A_290 = tpu.vector_load_idx %arg9[%add3A_41, %get3A_84] : memref<136x465xf32, #tpu.memory_space<vmem>>[vector<16xi32>, vector<16xi32>], vector<16xf32>,
      %jit3A_291 = arith.constant 128 : i32
      %broadcast_in_dim3A_292 = vector.broadcast %jit3A_291 : i32 to vector<16xi32>
      %select_n3A_293 = arith.select %ge3A_98, %broadcast_in_dim3A_292, %add3A_41 : vector<16xi1>, vector<16xi32>
      %gather3A_294 = tpu.vector_load_idx %arg9[%select_n3A_293, %select_n3A] : memref<136x465xf32, #tpu.memory_space<vmem>>[vector<16xi32>, vector<16xi32>], vector<16xf32>,
      %jit3A_295 = arith.constant 128 : i32
      %broadcast_in_dim3A_296 = vector.broadcast %jit3A_295 : i32 to vector<16xi32>
      %select_n3A_297 = arith.select %ge3A_103, %broadcast_in_dim3A_296, %add3A_41 : vector<16xi1>, vector<16xi32>
      %gather3A_298 = tpu.vector_load_idx %arg9[%select_n3A_297, %select_n3A_107] : memref<136x465xf32, #tpu.memory_space<vmem>>[vector<16xi32>, vector<16xi32>], vector<16xf32>,
      %jit3A_299 = arith.constant 128 : i32
      %broadcast_in_dim3A_300 = vector.broadcast %jit3A_299 : i32 to vector<16xi32>
      %select_n3A_301 = arith.select %ge3A_110, %broadcast_in_dim3A_300, %add3A_41 : vector<16xi1>, vector<16xi32>
      %gather3A_302 = tpu.vector_load_idx %arg9[%select_n3A_301, %select_n3A_114] : memref<136x465xf32, #tpu.memory_space<vmem>>[vector<16xi32>, vector<16xi32>], vector<16xf32>,
      %sub3A_303 = arith.subf %gather3A_294, %gather3A_302 : vector<16xf32>
      %sub3A_304 = arith.constant 0.0303030312 : f32
      %sub3A_305 = vector.broadcast %sub3A_304 : f32 to vector<16xf32>
      %sub3A_306 = arith.subf %gather3A_298, %sub3A_305 : vector<16xf32>
      %max3A_307 = arith.maximumf %gather3A_294, %sub3A_306 : vector<16xf32>
      %add3A_308 = arith.addf %sub3A_303, %sub3A_306 : vector<16xf32>
      %max3A_309 = arith.constant 0.000000e+00 : f32
      %max3A_310 = vector.broadcast %max3A_309 : f32 to vector<16xf32>
      %max3A_311 = arith.maximumf %add3A_308, %max3A_310 : vector<16xf32>
      %max3A_312 = arith.maximumf %max3A_307, %max3A_311 : vector<16xf32>
      %add3A_313 = arith.addf %sub3A_303, %gather3A_298 : vector<16xf32>
      %min3A_314 = arith.minimumf %gather3A_298, %add3A_313 : vector<16xf32>
      %min3A_315 = arith.minimumf %gather3A_290, %min3A_314 : vector<16xf32>
      %max3A_316 = arith.maximumf %min3A_315, %max3A_312 : vector<16xf32>
      %sub3A_317 = arith.subf %max3A_316, %gather3A_290 : vector<16xf32>
      %abs3A_318 = math.absf %sub3A_317 : vector<16xf32>
      %add3A_319 = arith.addf %scan3A_80, %abs3A_318 : vector<16xf32>
      tpu.vector_store_idx %arg9[%add3A_41, %get3A_84], %max3A_316 : memref<136x465xf32, #tpu.memory_space<vmem>>[vector<16xi32>, vector<16xi32>], vector<16xf32>,
      %gather3A_320 = tpu.vector_load_idx %arg9[%add3A_44, %get3A_84] : memref<136x465xf32, #tpu.memory_space<vmem>>[vector<16xi32>, vector<16xi32>], vector<16xf32>,
      %jit3A_321 = arith.constant 128 : i32
      %broadcast_in_dim3A_322 = vector.broadcast %jit3A_321 : i32 to vector<16xi32>
      %select_n3A_323 = arith.select %ge3A_98, %broadcast_in_dim3A_322, %add3A_44 : vector<16xi1>, vector<16xi32>
      %gather3A_324 = tpu.vector_load_idx %arg9[%select_n3A_323, %select_n3A] : memref<136x465xf32, #tpu.memory_space<vmem>>[vector<16xi32>, vector<16xi32>], vector<16xf32>,
      %jit3A_325 = arith.constant 128 : i32
      %broadcast_in_dim3A_326 = vector.broadcast %jit3A_325 : i32 to vector<16xi32>
      %select_n3A_327 = arith.select %ge3A_103, %broadcast_in_dim3A_326, %add3A_44 : vector<16xi1>, vector<16xi32>
      %gather3A_328 = tpu.vector_load_idx %arg9[%select_n3A_327, %select_n3A_107] : memref<136x465xf32, #tpu.memory_space<vmem>>[vector<16xi32>, vector<16xi32>], vector<16xf32>,
      %jit3A_329 = arith.constant 128 : i32
      %broadcast_in_dim3A_330 = vector.broadcast %jit3A_329 : i32 to vector<16xi32>
      %select_n3A_331 = arith.select %ge3A_110, %broadcast_in_dim3A_330, %add3A_44 : vector<16xi1>, vector<16xi32>
      %gather3A_332 = tpu.vector_load_idx %arg9[%select_n3A_331, %select_n3A_114] : memref<136x465xf32, #tpu.memory_space<vmem>>[vector<16xi32>, vector<16xi32>], vector<16xf32>,
      %sub3A_333 = arith.subf %gather3A_324, %gather3A_332 : vector<16xf32>
      %sub3A_334 = arith.constant 0.0303030312 : f32
      %sub3A_335 = vector.broadcast %sub3A_334 : f32 to vector<16xf32>
      %sub3A_336 = arith.subf %gather3A_328, %sub3A_335 : vector<16xf32>
      %max3A_337 = arith.maximumf %gather3A_324, %sub3A_336 : vector<16xf32>
      %add3A_338 = arith.addf %sub3A_333, %sub3A_336 : vector<16xf32>
      %max3A_339 = arith.constant 0.000000e+00 : f32
      %max3A_340 = vector.broadcast %max3A_339 : f32 to vector<16xf32>
      %max3A_341 = arith.maximumf %add3A_338, %max3A_340 : vector<16xf32>
      %max3A_342 = arith.maximumf %max3A_337, %max3A_341 : vector<16xf32>
      %add3A_343 = arith.addf %sub3A_333, %gather3A_328 : vector<16xf32>
      %min3A_344 = arith.minimumf %gather3A_328, %add3A_343 : vector<16xf32>
      %min3A_345 = arith.minimumf %gather3A_320, %min3A_344 : vector<16xf32>
      %max3A_346 = arith.maximumf %min3A_345, %max3A_342 : vector<16xf32>
      %sub3A_347 = arith.subf %max3A_346, %gather3A_320 : vector<16xf32>
      %abs3A_348 = math.absf %sub3A_347 : vector<16xf32>
      %add3A_349 = arith.addf %scan3A_81, %abs3A_348 : vector<16xf32>
      tpu.vector_store_idx %arg9[%add3A_44, %get3A_84], %max3A_346 : memref<136x465xf32, #tpu.memory_space<vmem>>[vector<16xi32>, vector<16xi32>], vector<16xf32>,
      scf.yield %add3A_139, %add3A_169, %add3A_199, %add3A_229, %add3A_259, %add3A_289, %add3A_319, %add3A_349 : vector<16xf32>, vector<16xf32>, vector<16xf32>, vector<16xf32>, vector<16xf32>, vector<16xf32>, vector<16xf32>, vector<16xf32>
    }
    %scan3A_64 = arith.constant 465 : i32
    %add3A_65 = arith.addf %scan3A_63#0, %scan3A_63#1 : vector<16xf32>
    %add3A_66 = arith.addf %add3A_65, %scan3A_63#2 : vector<16xf32>
    %add3A_67 = arith.addf %add3A_66, %scan3A_63#3 : vector<16xf32>
    %add3A_68 = arith.addf %add3A_67, %scan3A_63#4 : vector<16xf32>
    %add3A_69 = arith.addf %add3A_68, %scan3A_63#5 : vector<16xf32>
    %add3A_70 = arith.addf %add3A_69, %scan3A_63#6 : vector<16xf32>
    %add3A_71 = arith.addf %add3A_70, %scan3A_63#7 : vector<16xf32>
    %swap3A = arith.constant 0 : index
    %swap3A_72 = tpu.vector_load %arg14[%swap3A] {strides = array<i32>} : memref<16xf32, #tpu.memory_space<vmem>>, vector<16xf32>,
    tpu.vector_store %arg14[%swap3A], %add3A_71 {strides = array<i32>} : memref<16xf32, #tpu.memory_space<vmem>>, vector<16xf32>,
    "tpu.region"() ({
      %run_scoped3A = tpu.sem_alloc : memref<!tpu.dma_semaphore, #tpu.memory_space<semaphore_mem>>
      %dma_start3A = arith.constant 0 : i32
      %dma_start3A_73 = arith.constant 0 : i32
      %dma_start3A_74 = tpu.memref_slice %arg9[%dma_start3A, %dma_start3A_73] : memref<136x465xf32, #tpu.memory_space<vmem>> -> memref<128x465xf32, #tpu.memory_space<vmem>>
      %dma_start3A_75 = arith.constant 0 : i32
      %dma_start3A_76 = tpu.memref_slice %arg7[%mul3A_2, %dma_start3A_75] : memref<4096x465xf32, #tpu.memory_space<hbm>> -> memref<128x465xf32, #tpu.memory_space<hbm>>
      %dma_start3A_77 = arith.constant 0 : i32
      %dma_start3A_78 = tpu.memref_slice %arg7[%mul3A_2, %dma_start3A_77] : memref<4096x465xf32, #tpu.memory_space<hbm>> -> memref<128x465xf32, #tpu.memory_space<hbm>>
      %dma_start3A_79 = arith.constant 0 : i32
      %dma_start3A_80 = arith.constant 0 : i32
      %dma_start3A_81 = tpu.memref_slice %arg9[%dma_start3A_79, %dma_start3A_80] : memref<136x465xf32, #tpu.memory_space<vmem>> -> memref<128x465xf32, #tpu.memory_space<vmem>>
      tpu.enqueue_dma source(%dma_start3A_81 : memref<128x465xf32, #tpu.memory_space<vmem>>) target(%dma_start3A_78 : memref<128x465xf32, #tpu.memory_space<hbm>>) target_semaphore(%run_scoped3A : memref<!tpu.dma_semaphore, #tpu.memory_space<semaphore_mem>>)
      %dma_wait3A = arith.constant 0 : i32
      %dma_wait3A_82 = arith.constant 0 : i32
      %dma_wait3A_83 = tpu.memref_slice %arg9[%dma_wait3A, %dma_wait3A_82] : memref<136x465xf32, #tpu.memory_space<vmem>> -> memref<128x465xf32, #tpu.memory_space<vmem>>
      %dma_wait3A_84 = arith.constant 0 : i32
      %dma_wait3A_85 = tpu.memref_slice %arg7[%mul3A_2, %dma_wait3A_84] : memref<4096x465xf32, #tpu.memory_space<hbm>> -> memref<128x465xf32, #tpu.memory_space<hbm>>
      %dma_wait3A_86 = arith.constant 0 : i32
      %dma_wait3A_87 = tpu.memref_slice %arg7[%mul3A_2, %dma_wait3A_86] : memref<4096x465xf32, #tpu.memory_space<hbm>> -> memref<128x465xf32, #tpu.memory_space<hbm>>
      %dma_wait3A_88 = arith.constant 0 : i32
      %dma_wait3A_89 = arith.constant 0 : i32
      %dma_wait3A_90 = tpu.memref_slice %arg9[%dma_wait3A_88, %dma_wait3A_89] : memref<136x465xf32, #tpu.memory_space<vmem>> -> memref<128x465xf32, #tpu.memory_space<vmem>>
      tpu.wait_dma2 semaphore(%run_scoped3A : memref<!tpu.dma_semaphore, #tpu.memory_space<semaphore_mem>>) src(%dma_wait3A_90 : memref<128x465xf32, #tpu.memory_space<vmem>>) dst(%dma_wait3A_87 : memref<128x465xf32, #tpu.memory_space<hbm>>)
      tpu.yield
    }) : () -> ()
    "tpu.region"() ({
      %run_scoped3A = tpu.sem_alloc : memref<!tpu.dma_semaphore, #tpu.memory_space<semaphore_mem>>
      %dma_start3A = arith.constant 0 : i32
      %dma_start3A_73 = tpu.memref_slice %arg8[%add3A, %dma_start3A] : memref<32x16xf32, #tpu.memory_space<hbm>> -> memref<1x16xf32, #tpu.memory_space<hbm>>
      %dma_start3A_74 = tpu.memref_squeeze %dma_start3A_73 : memref<1x16xf32, #tpu.memory_space<hbm>> -> memref<16xf32, #tpu.memory_space<hbm>>
      %dma_start3A_75 = arith.constant 0 : i32
      %dma_start3A_76 = tpu.memref_slice %arg8[%add3A, %dma_start3A_75] : memref<32x16xf32, #tpu.memory_space<hbm>> -> memref<1x16xf32, #tpu.memory_space<hbm>>
      %dma_start3A_77 = tpu.memref_squeeze %dma_start3A_76 : memref<1x16xf32, #tpu.memory_space<hbm>> -> memref<16xf32, #tpu.memory_space<hbm>>
      tpu.enqueue_dma source(%arg14 : memref<16xf32, #tpu.memory_space<vmem>>) target(%dma_start3A_77 : memref<16xf32, #tpu.memory_space<hbm>>) target_semaphore(%run_scoped3A : memref<!tpu.dma_semaphore, #tpu.memory_space<semaphore_mem>>)
      %dma_wait3A = arith.constant 0 : i32
      %dma_wait3A_78 = tpu.memref_slice %arg8[%add3A, %dma_wait3A] : memref<32x16xf32, #tpu.memory_space<hbm>> -> memref<1x16xf32, #tpu.memory_space<hbm>>
      %dma_wait3A_79 = tpu.memref_squeeze %dma_wait3A_78 : memref<1x16xf32, #tpu.memory_space<hbm>> -> memref<16xf32, #tpu.memory_space<hbm>>
      %dma_wait3A_80 = arith.constant 0 : i32
      %dma_wait3A_81 = tpu.memref_slice %arg8[%add3A, %dma_wait3A_80] : memref<32x16xf32, #tpu.memory_space<hbm>> -> memref<1x16xf32, #tpu.memory_space<hbm>>
      %dma_wait3A_82 = tpu.memref_squeeze %dma_wait3A_81 : memref<1x16xf32, #tpu.memory_space<hbm>> -> memref<16xf32, #tpu.memory_space<hbm>>
      tpu.wait_dma2 semaphore(%run_scoped3A : memref<!tpu.dma_semaphore, #tpu.memory_space<semaphore_mem>>) src(%arg14 : memref<16xf32, #tpu.memory_space<vmem>>) dst(%dma_wait3A_82 : memref<16xf32, #tpu.memory_space<hbm>>)
      tpu.yield
    }) : () -> ()
    return
  }
}

</mosaic_0001>

<sc_bundles>
// kernel: _run.3.cloned.1.call-start
scs
__scs_entry_jumppad:
0x0: {  	(pc) =	sbr.rel $0x88, $3  }
0x1: {  	(tag) =	ssettag $0x0;
	lr =	simm.s32 $0x1  }
0x2: {  	[smem:$0x3FA0] =	sst lr;
	_ =	strace $0xD0000000  }
0x3: {  	_ = 	snop  }
0x4: {  	_ = 	snop  }
0x5: {  	_ = 	snop  }
0x6: {  	_ = 	snop  }
0x7: {  	_ = 	snop  }
__scs_overlays_trampoline_lowered:
0x8: {  	[smem:$0x3FAF] =	sst s0  }
0x9: {  	[smem:$0x3FB0] =	sst s1  }
0xa: {  	[smem:$0x3FB1] =	sst s2  }
0xb: {  	[smem:$0x3FB2] =	sst s3  }
0xc: {  	[smem:$0x3FB3] =	sst s4  }
0xd: {  	[smem:$0x3FB4] =	sst s5  }
0xe: {  	[smem:$0x3FB5] =	sst s6  }
0xf: {  	[smem:$0x3FB6] =	sst s7  }
0x10: {  	[smem:$0x3FB7] =	sst s8  }
0x11: {  	[smem:$0x3FB8] =	sst s9;
	s0 =	simm.s32 @!p0 $0x0  }
0x12: {  	s1 =	sld [smem:$0x3F9E];
	s0 =	simm.s32 @p0 $0x1  }
0x13: {  	[smem:$0x3FB9] =	sst s0;
	s0 =	simm.s32 @!p1 $0x0  }
0x14: {  	s2 =	sld [smem:$0x3F9D];
	s0 =	simm.s32 @p1 $0x1  }
0x15: {  	[smem:$0x3FBA] =	sst s0;
	s0 =	simm.s32 @!p2 $0x0  }
0x16: {  	s3 =	sld [smem:$0x3FDB];
	s0 =	simm.s32 @p2 $0x1  }
0x17: {  	s4 =	simm.s32 $0x1BF5;
	[smem:$0x3FBC] =	sst s0  }
0x18: {  	s0 =	sld [smem:$0x3F9F];
	_ =	swait.ge [sflag:s4], $0x0  }
0x19: {  	s7 =	sld [smem:$0x3FA0]  }
0x1a: {  	s8 =	sadd.s32 $0xFFFFE003, lr  }
0x1b: {  	s9 =	sadd.s32 $0xFFFFFEF7, lr;
	s5 =	simm.s32 $0xFFFFFFFF;
	p2 =	slt.u32 s8, $0xFFFFF086  }
0x1c: {  	p1 =	slt.u32 s9, $0xF7A;
	s5 =	simm.s32 @!p2 $0x0  }
0x1d: {  	s5 =	simm.s32 @p1 $0x1;
	p0 =	seq.s32 s7, s2  }
0x1e: {  	s7 =	smul.u32 @!p0 $0xF7A, s2;
	p2 =	seq.s32 @!p0 s5, $0x0  }
0x1f: {  	s9 =	smul.u32 $0xF7A, s1;
	s8 =	simm.s32 @!p0 $0x1BF5;
	p2 =	por !p2, p0  }
0x20: {  	[sflag:s8] =	ssyncset.s32 @!p0 $0xFFFFF086;
	s6 =	sadd.s32 @!p0 s3, s7;
	s7 =	simm.s32 @!p0 $0x108  }
0x21: {  	s3 =	sadd.s32 s3, s9;
	s6 =	sadd.s32 @!p0 $0x88, s6;
	s7 =	simm.s32 @p2 $0x1082  }
0x22: {  	[simem:s7], [sflag:s8] =	dma.local @!p0 [hbm:s6], $0xF7A  }
0x23: {  	s9 =	sor.u32 $0xD0000000, s2;
	s6 =	simm.s32 $0x108;
	_ =	swait.ge @!p0 [sflag:s8], $0x0  }
0x24: {  	s3 =	sadd.s32 $0x88, s3;
	s6 =	simm.s32 @!p1 $0x1082;
	[sflag:s4] =	ssyncset.s32 $0xFFFFF086  }
0x25: {  	[simem:s6], [sflag:s4] =	dma.local [hbm:s3], $0xF7A  }
0x26: {  	[smem:$0x3FA0] =	sst s1;
	(tag) =	ssettag s2;
	_ =	strace s9  }
0x27: {  	s1 =	sld [smem:$0x3FB0]  }
0x28: {  	s2 =	sld [smem:$0x3FB1]  }
0x29: {  	s4 =	sld [smem:$0x3FB3]  }
0x2a: {  	p0 =	seq.s32 s5, $0x0;
	s5 =	sld [smem:$0x3FB4]  }
0x2b: {  	s6 =	sld [smem:$0x3FB5]  }
0x2c: {  	s7 =	sld [smem:$0x3FB6]  }
0x2d: {  	s3 =	simm.s32 $0x108;
	s8 =	sld [smem:$0x3FB7]  }
0x2e: {  	s3 =	simm.s32 @!p0 $0x1082;
	s9 =	sld [smem:$0x3FB8]  }
0x2f: {  	lr =	sadd.s32 s0, s3;
	s0 =	sld [smem:$0x3FAF]  }
0x30: {  	s3 =	sld [smem:$0x3FB2]  }
0x31: {  	[smem:$0x3FBB] =	sst s10  }
0x32: {  	s10 =	sld [smem:$0x3FB9];
	_ =	sdelay $0x3  }
0x33: {  	p0 =	seq.s32 s10, $0x1;
	s10 =	sld [smem:$0x3FBB];
	_ =	sdelay $0x3  }
0x34: {  	[smem:$0x3FBB] =	sst s10  }
0x35: {  	s10 =	sld [smem:$0x3FBA];
	_ =	sdelay $0x3  }
0x36: {  	p1 =	seq.s32 s10, $0x1;
	s10 =	sld [smem:$0x3FBB];
	_ =	sdelay $0x3  }
0x37: {  	[smem:$0x3FBB] =	sst s10  }
0x38: {  	s10 =	sld [smem:$0x3FBC]  }
0x39: {  	_ = 	snop;
	(pc) =	sbr.ind lr, $3  }
0x3a: {  	_ = 	snop  }
0x3b: {  	_ = 	snop  }
0x3c: {  	p2 =	seq.s32 s10, $0x1;
	s10 =	sld [smem:$0x3FBB]  }
0x3d: {  	_ =	shalt  }
0x3e: {  	_ =	shalt  }
0x3f: {  	_ =	shalt  }
0x40: {  	_ =	shalt  }
0x41: {  	_ =	shalt  }
0x42: {  	_ =	shalt  }
0x43: {  	_ =	shalt  }
0x44: {  	_ =	shalt  }
0x45: {  	_ =	shalt  }
0x46: {  	_ =	shalt  }
0x47: {  	_ =	shalt  }
0x48: {  	_ =	shalt  }
0x49: {  	_ =	shalt  }
0x4a: {  	_ =	shalt  }
0x4b: {  	_ =	shalt  }
0x4c: {  	_ =	shalt  }
0x4d: {  	_ =	shalt  }
0x4e: {  	_ =	shalt  }
0x4f: {  	_ =	shalt  }
0x50: {  	_ =	shalt  }
0x51: {  	_ =	shalt  }
0x52: {  	_ =	shalt  }
0x53: {  	_ =	shalt  }
0x54: {  	_ =	shalt  }
0x55: {  	_ =	shalt  }
0x56: {  	_ =	shalt  }
0x57: {  	_ =	shalt  }
0x58: {  	_ =	shalt  }
0x59: {  	_ =	shalt  }
0x5a: {  	_ =	shalt  }
0x5b: {  	_ =	shalt  }
0x5c: {  	_ =	shalt  }
0x5d: {  	_ =	shalt  }
0x5e: {  	_ =	shalt  }
0x5f: {  	_ =	shalt  }
0x60: {  	_ =	shalt  }
0x61: {  	_ =	shalt  }
0x62: {  	_ =	shalt  }
0x63: {  	_ =	shalt  }
0x64: {  	_ =	shalt  }
0x65: {  	_ =	shalt  }
0x66: {  	_ =	shalt  }
0x67: {  	_ =	shalt  }
0x68: {  	_ =	shalt  }
0x69: {  	_ =	shalt  }
0x6a: {  	_ =	shalt  }
0x6b: {  	_ =	shalt  }
0x6c: {  	_ =	shalt  }
0x6d: {  	_ =	shalt  }
0x6e: {  	_ =	shalt  }
0x6f: {  	_ =	shalt  }
0x70: {  	_ =	shalt  }
0x71: {  	_ =	shalt  }
0x72: {  	_ =	shalt  }
0x73: {  	_ =	shalt  }
0x74: {  	_ =	shalt  }
0x75: {  	_ =	shalt  }
0x76: {  	_ =	shalt  }
0x77: {  	_ =	shalt  }
0x78: {  	_ =	shalt  }
0x79: {  	_ =	shalt  }
0x7a: {  	_ =	shalt  }
0x7b: {  	_ =	shalt  }
0x7c: {  	_ =	shalt  }
0x7d: {  	_ =	shalt  }
0x7e: {  	_ =	shalt  }
0x7f: {  	_ =	shalt  }
0x80: {  	_ =	shalt  }
0x81: {  	_ =	shalt  }
0x82: {  	_ =	shalt  }
0x83: {  	_ =	shalt  }
0x84: {  	_ =	shalt  }
0x85: {  	_ =	shalt  }
0x86: {  	_ =	shalt  }
0x87: {  	_ =	shalt  }
.Lfunc_end0:
.L_simem_size_0:
called_computation_lowered:
.L_overlay_start_0:
0x88: {  	s2 =	sld [smem:$0x3FD9]  }
0x89: {  	s3 =	sld [smem:$0x3FFE];
	_ =	sdelay $0x1  }
0x8a: {  	s1 =	srdreg.scid  }
0x8b: {  	s0 =	sand.u32 $0x1, s1  }
0x8c: {  	s14 =	sshll.u32 s0, $0xA;
	s2 =	sadd.s32 s3, s2  }
0x8d: {  	s2 =	sadd.s32 s2, s14  }
0x8e: {  	[smem:$0x3FC7] =	sst s2  }
0x8f: {  	_ = 	snop  }
0x90: {  	s2 =	sld [smem:$0x3FD0];
	_ =	sdelay $0x2  }
0x91: {  	s15 =	simm.s32 $0xA;
	s4 =	simm.s32 $0x10  }
0x92: {  	[smem:s4], [sflag:s15] =	dma.local [hbm:s2], $0x1  }
0x93: {  	_ =	swait.eq [sflag:s15], $0x1  }
0x94: {  	[sflag:s15] =	ssyncset.done $0x0  }
0x95: {  	[sflag:s15] =	ssyncadd.s32 $0xFFFFFFFF  }
0x96: {  	s16 =	sld [smem:$0x10];
	(tm) =	ssettm $0x1  }
0x97: {  	s17 =	sld [smem:$0x3FFB];
	_ =	sdelay $0x3  }
0x98: {  	_ =	strace s17  }
0x99: {  	s3 =	sld [smem:$0x3FFC];
	_ =	sdelay $0x3  }
0x9a: {  	_ =	strace s3  }
0x9b: {  	s3 =	sld [smem:$0x3FFD];
	_ =	sdelay $0x3  }
0x9c: {  	_ =	strace s3  }
0x9d: {  	_ =	strace $0x8FFFFFFF  }
0x9e: {  	s18 =	sld [smem:$0x3FDB];
	_ =	sdelay $0x1  }
0x9f: {  	s19 =	simm.s32 $_scs_section_size  }
0xa0: {  	s5 =	simm.s32 $_size__tile_overlayer_lowered;
	s6 =	simm.s32 $_tile_overlayer_lowered  }
0xa1: {  	s22 =	simm.s32 $0x1BFF;
	s21 =	sshll.u32 s6, $0x1;
	s3 =	sadd.s32 s19, s18  }
0xa2: {  	s7 =	simm.s32 $0x0;
	s20 =	sshll.u32 s5, $0x1;
	s5 =	sadd.s32 s21, s3  }
0xa3: {  	[timem:s7], [sflag:s22] =	dma.local [hbm:s5], s20  }
0xa4: {  	_ =	swait.ge [sflag:s22], s20  }
0xa5: {  	s4 =	ssub.s32 $0x0, s20;
	[sflag:s22] =	ssyncset.done $0x0  }
0xa6: {  	[sflag:s22] =	ssyncadd.s32 s4;
	_ =	sdelay $0x1  }
0xa7: {  	s23 =	simm.s32 $0x1B8B  }
0xa8: {  	_ =	swait.ge [sflag:s23], $0x1  }
0xa9: {  	[sflag:s23] =	ssyncset.done $0x0  }
0xaa: {  	s25 =	simm.s32 $0x1B8E;
	s24 =	sld [smem:$0x3FFE];
	[sflag:s23] =	ssyncadd.s32 $0xFFFFFFFF  }
0xab: {  	s26 =	simm.s32 $execute0_lowered;
	[smem:$0x3FD2] =	sst s25  }
0xac: {  	s5 =	sshll.u32 s26, $0x1;
	_ =	strace $0x80000046;
	[dreg:$0x1] =	wrdreg $0xFFFFFFFF  }
0xad: {  	s28 =	simm.s32 $_size_execute0_lowered;
	s3 =	sadd.s32 s3, s5;
	[dreg:$0x0] =	wrdreg $0x0  }
0xae: {  	s5 =	sshll.u32 s28, $0x1;
	[dreg:$0x2] =	wrdreg s3  }
0xaf: {  	[dreg:$0x3] =	wrdreg s5  }
0xb0: {  	[dreg:$0x4] =	wrdreg $0xC0  }
0xb1: {  	_ =	task [dreg:s7], $0x5FFFF  }
0xb2: {  	[dreg:$0x1] =	wrdreg $0xFFFFFFFF  }
0xb3: {  	[dreg:$0x0] =	wrdreg $0x60  }
0xb4: {  	[dreg:$0x2] =	wrdreg s16  }
0xb5: {  	[dreg:$0x3] =	wrdreg s24  }
0xb6: {  	[dreg:$0x4] =	wrdreg $0x9  }
0xb7: {  	_ =	task.clear_ibuf [dreg:s7], $0x5FFFF;
	_ =	strace $0x90000046  }
0xb8: {  	s29 =	simm.s32 $0x9;
	_ =	strace $0x80000048  }
0xb9: {  	_ =	swait.ge [sflag:s29], $0x1  }
0xba: {  	[sflag:s29] =	ssyncadd.s32 $0xFFFFFFFF  }
0xbb: {  	_ =	strace $0x90000048  }
0xbc: {  	_ =	sfence  }
0xbd: {  	s30 =	sld [smem:$0x0];
	_ =	sdelay $0x2  }
0xbe: {  	s31 =	sshll.u32 s1, $0xD;
	s1 =	sshrl.u32 s1, $0x2  }
0xbf: {  	s3 =	sand.u32 $0x4000, s31;
	s1 =	sadd.s32 s1, s30  }
0xc0: {  	s0 =	sor.u32 s3, s0;
	s1 =	sshll.u32 s1, $0x11  }
0xc1: {  	s0 =	sor.u32 s1, s0  }
0xc2: {  	s0 =	sadd.s32 $0x8F2B, s0  }
0xc3: {  	[sflag:s0] =	ssyncadd.remote.s32 $0x1  }
0xc4: {  	_ =	sfence.sel $0xFFFF  }
0xc5: {  	[dreg:$0x0] =	wrdreg $0xFFFFFFFF;
	(pc) =	sbr.abs _section_cstart, $3  }
0xc6: {  	[dreg:$0x1] =	wrdreg $0xFFFFFFFF  }
0xc7: {  	_ =	task.clear_ibuf [dreg:s7], $0x2FFFF;
	_ =	strace $0x9FFFFFFF  }
0xc8: {  	(tm) =	ssettm $0x7FFFFFFF  }
0xc9: {  	_ =	shalt  }
tec
execute0_lowered:
.L_overlay_start_1:
0x0: {  	(tag) =	ssettag $0x1  }
0x1: {  	v0 =	vimm.f32 $4.545454680e-01  }
0x2: {  	vm0 =	vcmask $0x300;
	vm1 =	vcmask $0x704;
	vm2 =	vcmask $0xB08  }
0x3: {  	v1 =	vimm.f32 $9.393939970e-01;
	vm3 =	vcmask $0xF0C;
	v0 =	vsel vm0, $0x0, v0  }
0x4: {  	vm15 =	vcmask $0x1310;
	vm6 =	vcmask $0x1714;
	v0 =	vsel vm1, $0x3CF83E10, v0  }
0x5: {  	vm7 =	vcmask $0x1B18;
	v1 =	vsel vm0, $0x3EF83E10, v1;
	v0 =	vsel vm2, $0x3D783E10, v0  }
0x6: {  	vm8 =	vcmask $0x1F1C;
	v1 =	vsel vm1, $0x3F03E0F8, v1;
	v0 =	vsel vm3, $0x3DBA2E8C, v0  }
0x7: {  	vm9 =	vcmask $0x2320;
	v1 =	vsel vm2, $0x3F0BA2E9, v1;
	v0 =	vsel vm15, $0x3DF83E10, v0  }
0x8: {  	vm10 =	vcmask $0x2724;
	v1 =	vsel vm3, $0x3F1364DA, v1;
	v0 =	vsel vm6, $0x3E1B26CA, v0  }
0x9: {  	s7 =	rddreg [dreg:$0x0];
	vm11 =	vcmask $0x2B28;
	v1 =	vsel vm15, $0x3F1B26CA, v1;
	v0 =	vsel vm7, $0x3E3A2E8C, v0  }
0xa: {  	s8 =	rddreg [dreg:$0x1];
	vm12 =	vcmask $0x2F2C;
	v1 =	vsel vm6, $0x3F22E8BA, v1;
	v0 =	vsel vm8, $0x3E59364E, v0  }
0xb: {  	s0 =	rddreg [dreg:$0x2];
	vm13 =	vcmask $0x3330;
	v1 =	vsel vm7, $0x3F2AAAAB, v1;
	v0 =	vsel vm9, $0x3E783E10, v0  }
0xc: {  	s1 =	simm.s32 $0x0;
	s14 =	simm.s32 $0x134E0;
	s15 =	simm.s32 $0x151F0;
	v1 =	vsel vm8, $0x3F326C9C, v1;
	v0 =	vsel vm10, $0x3E8BA2E9, v0  }
0xd: {  	s5 =	srdreg.scid;
	s16 =	simm.s32 $0x16F00;
	[smem:$0x7FF] =	sst s1;
	v1 =	vsel vm9, $0x3F3A2E8C, v1;
	v0 =	vsel vm11, $0x3E9B26CA, v0  }
0xe: {  	s2 =	stileid.u32;
	s3 =	sadd.s32 $0x1800, s8;
	s4 =	sadd.s32 $0x1400, s8;
	v1 =	vsel vm10, $0x3F41F07C, v1;
	v0 =	vsel vm12, $0x3EAAAAAB, v0  }
0xf: {  	vm14 =	vcmask $0x3734;
	s9 =	sand.u32 $0x1, s5;
	s6 =	sshll.u32 s2, $0x1;
	s5 =	sadd.s32 $0x1000, s8;
	v1 =	vsel vm11, $0x3F49B26D, v1;
	v0 =	vsel vm13, $0x3EBA2E8C, v0  }
0x10: {  	v4 =	vlaneseq.u32;
	s17 =	simm.s32 $0x0;
	_ =	strace $0x80000047;
	s10 =	sor.u32 s9, s6;
	v2 =	vsel vm14, $0x3EC9B26D, v0;
	v0 =	vsel vm12, $0x3F51745E, v1  }
0x11: {  	s9 =	ssub.s32 $0x2, s9;
	s11 =	smul.u32 $0x1D80, s10;
	s10 =	sshll.u32 s10, $0x1;
	vm15 =	vcmask $0x3B38;
	v3 =	vsel vm13, $0x3F59364E, v0;
	v0 =	vmul.u32 $0x1D8, v4  }
0x12: {  	s6 =	sadd.s32 $0xC00, s8;
	s31 =	sshrl.u32 s9, $0x1;
	s10 =	sadd.s32 s10, s8;
	v1 =	vsel vm15, $0x3ED9364E, v2;
	v2 =	vor.u32 $0xEC00, v4;
	v3 =	vsel vm14, $0x3F60F83E, v3  }
0x13: {  	s13 =	ssub.s32 s9, s31;
	s12 =	sadd.s32 s11, s8;
	s7 =	sadd.s32 s7, s11;
	v4 =	vor.u32 $0xEC10, v4;
	v3 =	vsel vm15, $0x3F68BA2F, v3;
	v5 =	vadd.s32 $0x1D80, v0  }
0x14: {  	s9 =	sadd.s32 $0x1C00, s10;
	s10 =	smax.u32 s13, $0x1;
	s11 =	simm.s32 $0x1;
	v6 =	vadd.s32 $0x3B00, v0;
	v7 =	vadd.s32 $0x5880, v0;
	v8 =	vadd.s32 $0x7600, v0  }
0x15: {  	s13 =	simm.s32 $0x117D0;
	s8 =	sadd.s32 $0x1E00, s12;
	s12 =	simm.s32 $0xFAC0;
	v9 =	vadd.s32 $0x9380, v0;
	v10 =	vadd.s32 $0xB100, v0;
	v11 =	vadd.s32 $0xCE80, v0  }
.LBB2_1:
0x16: {  	[tilespmem:s1], [sflag:$0x1] =	stream.linear.gather [hbm4b:s7+s1], $0xEC00, $0x38;
	[tilespmem:$0x16F10] =	vst v63  }
0x17: {  	_ =	swait.ge [sflag:s11], $0xEC00  }
0x18: {  	[sflag:s11] =	ssyncset.done $0x0  }
0x19: {  	[sflag:s11] =	ssyncadd.s32 $0xFFFF1400  }
0x1a: {  	[tilespmem:s12], [sflag:$0x1] =	stream.linear.gather [hbm4b:s3+s1], $0x1D10, $0x38;
	[tilespmem:$0x16F10] =	vst v63  }
0x1b: {  	_ =	swait.ge [sflag:s11], $0x1D10  }
0x1c: {  	[sflag:s11] =	ssyncset.done $0x0  }
0x1d: {  	[sflag:s11] =	ssyncadd.s32 $0xFFFFE2F0  }
0x1e: {  	[tilespmem:s13], [sflag:$0x1] =	stream.linear.gather [hbm4b:s4+s1], $0x1D10, $0x38;
	[tilespmem:$0x16F10] =	vst v63  }
0x1f: {  	_ =	swait.ge [sflag:s11], $0x1D10  }
0x20: {  	[sflag:s11] =	ssyncset.done $0x0  }
0x21: {  	[sflag:s11] =	ssyncadd.s32 $0xFFFFE2F0  }
0x22: {  	[tilespmem:s14], [sflag:$0x1] =	stream.linear.gather [hbm4b:s5+s1], $0x1D10, $0x38;
	[tilespmem:$0x16F10] =	vst v63  }
0x23: {  	_ =	swait.ge [sflag:s11], $0x1D10  }
0x24: {  	[sflag:s11] =	ssyncset.done $0x0  }
0x25: {  	[sflag:s11] =	ssyncadd.s32 $0xFFFFE2F0  }
0x26: {  	[tilespmem:s15], [sflag:$0x1] =	stream.linear.gather [hbm4b:s6+s1], $0x1D10, $0x38;
	[tilespmem:$0x16F10] =	vst v63  }
0x27: {  	_ =	swait.ge [sflag:s11], $0x1D10  }
0x28: {  	[sflag:s11] =	ssyncset.done $0x0  }
0x29: {  	v12 =	vimm.f32 $0.0e+00;
	v13 =	vimm.f32 $0.0e+00;
	[sflag:s11] =	ssyncadd.s32 $0xFFFFE2F0  }
0x2a: {  	v14 =	vimm.f32 $0.0e+00;
	v15 =	vimm.f32 $0.0e+00;
	v16 =	vimm.f32 $0.0e+00;
	[tilespmem:v2+s1+$0x0] =	vst.idx.msk $0xffff, v1  }
0x2b: {  	s18 =	simm.s32 $0x0;
	v17 =	vimm.f32 $0.0e+00;
	v18 =	vimm.f32 $0.0e+00;
	v19 =	vimm.f32 $0.0e+00;
	[tilespmem:v4+s1+$0x0] =	vst.idx.msk $0xffff, v3  }
.LBB2_2:
0x2c: {  	s19 =	sshra.s32 s18, $0x2  }
0x2d: {  	v20 =	vld [tilespmem:s19+$0x117D0]  }
0x2e: {  	v22 =	vld [tilespmem:s19+$0x134E0]  }
0x2f: {  	v23 =	vld [tilespmem:s19+$0x151F0];
	_ =	sdelay $0x3  }
0x30: {  	vm1 =	vgt.s32 v20, $0x1D0;
	v21 =	vadd.s32 $0xFFFFFE2F, v20  }
0x31: {  	vm2 =	vgt.s32 v22, $0x1D0;
	v24 =	vadd.s32 $0xFFFFFE2F, v22;
	vm0 =	vgt.s32 v23, $0x1D0  }
0x32: {  	v26 =	vadd.s32 $0xFFFFFE2F, v23;
	v21 =	vsel vm1, v21, v20;
	v25 =	vsel vm1, $0xEC00, v0  }
0x33: {  	v22 =	vsel vm2, v24, v22;
	v26 =	vsel vm0, v26, v23;
	v47 =	vsel vm2, $0xEC00, v0  }
0x34: {  	v28 =	vsel vm0, $0xEC00, v0;
	v20 =	vand.u32 $0xFFFFFFF8, v21;
	v21 =	vand.u32 $0x7, v21  }
0x35: {  	v24 =	vand.u32 $0xFFFFFFF8, v22;
	v23 =	vand.u32 $0x7, v22;
	v25 =	vadd.s32 v25, v20  }
0x36: {  	v22 =	vadd.s32 v47, v24;
	v27 =	vor.u32 v21, v25;
	v25 =	vand.u32 $0xFFFFFFF8, v26  }
0x37: {  	v29 =	vor.u32 v23, v22;
	v26 =	vand.u32 $0x7, v26;
	v48 =	vadd.s32 v28, v25  }
0x38: {  	v22 =	vld [tilespmem:s19+$0xFAC0];
	v28 =	vor.u32 v26, v48;
	_ =	sdelay $0x2  }
0x39: {  	v30 =	vld.idx.msk [tilespmem:v27+s1+$0x0], $0xffff  }
0x3a: {  	v29 =	vld.idx.msk [tilespmem:v29+s1+$0x0], $0xffff  }
0x3b: {  	v31 =	vadd.s32 v0, v22;
	v49 =	vld.idx.msk [tilespmem:v28+s1+$0x0], $0xffff;
	_ =	sdelay $0x4  }
0x3c: {  	v34 =	vsel vm2, $0xEC00, v5;
	v32 =	vadd.f32 $-3.030303120e-02, v29;
	v27 =	vld.idx.msk [tilespmem:v31+s1+$0x0], $0xffff;
	v28 =	vsub.f32 v30, v49  }
0x3d: {  	v51 =	vsel vm1, $0xEC00, v5;
	v35 =	vsel vm0, $0xEC00, v5;
	v34 =	vadd.s32 v34, v24  }
0x3e: {  	v53 =	vadd.s32 v35, v25;
	v33 =	vadd.f32 v28, v32;
	v28 =	vadd.f32 v28, v29  }
0x3f: {  	v52 =	vor.u32 v23, v34;
	v54 =	vor.u32 v26, v53;
	v30 =	vmax.f32 v30, v32  }
0x40: {  	v50 =	vmax.f32 v33, $0.0e+00;
	v33 =	vadd.s32 v51, v20;
	v28 =	vmin.f32 v29, v28  }
0x41: {  	v33 =	vor.u32 v21, v33;
	v30 =	vmax.f32 v30, v50;
	v28 =	vmin.f32 v27, v28  }
0x42: {  	v28 =	vmax.f32 v28, v30  }
0x43: {  	[tilespmem:v31+s1+$0x0] =	vst.idx.msk $0xffff, v28  }
0x44: {  	v31 =	vld.idx.msk [tilespmem:v52+s1+$0x0], $0xffff  }
0x45: {  	v56 =	vld.idx.msk [tilespmem:v54+s1+$0x0], $0xffff  }
0x46: {  	v57 =	vadd.s32 v5, v22;
	v55 =	vld.idx.msk [tilespmem:v33+s1+$0x0], $0xffff;
	_ =	sdelay $0x4  }
0x47: {  	v36 =	vsel vm2, $0xEC00, v6;
	v29 =	vld.idx.msk [tilespmem:v57+s1+$0x0], $0xffff;
	v58 =	vadd.f32 $-3.030303120e-02, v31;
	v33 =	vsub.f32 v55, v56  }
0x48: {  	v61 =	vsel vm1, $0xEC00, v6;
	v37 =	vsel vm0, $0xEC00, v6;
	v36 =	vadd.s32 v36, v24  }
0x49: {  	v35 =	vadd.s32 v61, v20;
	v59 =	vadd.f32 v33, v58;
	v33 =	vadd.f32 v33, v31  }
0x4a: {  	v62 =	vor.u32 v23, v36;
	v63 =	vadd.s32 v37, v25;
	v35 =	vor.u32 v21, v35  }
0x4b: {  	v30 =	vmax.f32 v55, v58;
	v60 =	vmax.f32 v59, $0.0e+00;
	v31 =	vmin.f32 v31, v33  }
0x4c: {  	v39 =	vor.u32 v26, v63;
	v30 =	vmax.f32 v30, v60;
	v31 =	vmin.f32 v29, v31  }
0x4d: {  	v30 =	vmax.f32 v31, v30  }
0x4e: {  	[tilespmem:v57+s1+$0x0] =	vst.idx.msk $0xffff, v30  }
0x4f: {  	v40 =	vld.idx.msk [tilespmem:v35+s1+$0x0], $0xffff  }
0x50: {  	v32 =	vld.idx.msk [tilespmem:v62+s1+$0x0], $0xffff  }
0x51: {  	v42 =	vadd.s32 v6, v22;
	v41 =	vld.idx.msk [tilespmem:v39+s1+$0x0], $0xffff;
	_ =	sdelay $0x3  }
0x52: {  	v46 =	vsel vm1, $0xEC00, v7  }
0x53: {  	v38 =	vsel vm2, $0xEC00, v7;
	v37 =	vld.idx.msk [tilespmem:v42+s1+$0x0], $0xffff;
	v33 =	vsub.f32 v40, v41;
	v43 =	vadd.f32 $-3.030303120e-02, v32  }
0x54: {  	v38 =	vadd.s32 v38, v24;
	v36 =	vadd.s32 v46, v20  }
0x55: {  	v39 =	vsel vm0, $0xEC00, v7;
	v44 =	vadd.f32 v33, v43;
	v33 =	vadd.f32 v33, v32  }
0x56: {  	v47 =	vor.u32 v23, v38;
	v36 =	vor.u32 v21, v36;
	v48 =	vadd.s32 v39, v25  }
0x57: {  	v31 =	vmax.f32 v40, v43;
	v45 =	vmax.f32 v44, $0.0e+00;
	v32 =	vmin.f32 v32, v33  }
0x58: {  	v49 =	vor.u32 v26, v48;
	v31 =	vmax.f32 v31, v45;
	v32 =	vmin.f32 v37, v32  }
0x59: {  	v31 =	vmax.f32 v32, v31  }
0x5a: {  	[tilespmem:v42+s1+$0x0] =	vst.idx.msk $0xffff, v31  }
0x5b: {  	v50 =	vld.idx.msk [tilespmem:v36+s1+$0x0], $0xffff  }
0x5c: {  	v33 =	vld.idx.msk [tilespmem:v47+s1+$0x0], $0xffff  }
0x5d: {  	v51 =	vadd.s32 v7, v22;
	v34 =	vld.idx.msk [tilespmem:v49+s1+$0x0], $0xffff;
	_ =	sdelay $0x4  }
0x5e: {  	v55 =	vsel vm1, $0xEC00, v8;
	v39 =	vld.idx.msk [tilespmem:v51+s1+$0x0], $0xffff;
	v34 =	vsub.f32 v50, v34;
	v52 =	vadd.f32 $-3.030303120e-02, v33  }
0x5f: {  	v38 =	vadd.s32 v55, v20;
	v41 =	vsel vm0, $0xEC00, v8;
	v40 =	vsel vm2, $0xEC00, v8  }
0x60: {  	v40 =	vadd.s32 v40, v24;
	v53 =	vadd.f32 v34, v52;
	v34 =	vadd.f32 v34, v33  }
0x61: {  	v38 =	vor.u32 v21, v38;
	v57 =	vadd.s32 v41, v25;
	v56 =	vor.u32 v23, v40  }
0x62: {  	v32 =	vmax.f32 v50, v52;
	v54 =	vmax.f32 v53, $0.0e+00;
	v33 =	vmin.f32 v33, v34  }
0x63: {  	v58 =	vor.u32 v26, v57;
	v32 =	vmax.f32 v32, v54;
	v33 =	vmin.f32 v39, v33  }
0x64: {  	v32 =	vmax.f32 v33, v32  }
0x65: {  	[tilespmem:v51+s1+$0x0] =	vst.idx.msk $0xffff, v32  }
0x66: {  	v59 =	vld.idx.msk [tilespmem:v38+s1+$0x0], $0xffff  }
0x67: {  	v34 =	vld.idx.msk [tilespmem:v56+s1+$0x0], $0xffff  }
0x68: {  	v60 =	vadd.s32 v8, v22;
	v35 =	vld.idx.msk [tilespmem:v58+s1+$0x0], $0xffff;
	_ =	sdelay $0x4  }
0x69: {  	v45 =	vsel vm1, $0xEC00, v9;
	v41 =	vld.idx.msk [tilespmem:v60+s1+$0x0], $0xffff;
	v35 =	vsub.f32 v59, v35;
	v61 =	vadd.f32 $-3.030303120e-02, v34  }
0x6a: {  	v43 =	vsel vm0, $0xEC00, v9;
	v40 =	vadd.s32 v45, v20;
	v42 =	vsel vm2, $0xEC00, v9  }
0x6b: {  	v42 =	vadd.s32 v42, v24;
	v62 =	vadd.f32 v35, v61;
	v35 =	vadd.f32 v35, v34  }
0x6c: {  	v40 =	vor.u32 v21, v40;
	v47 =	vadd.s32 v43, v25;
	v46 =	vor.u32 v23, v42  }
0x6d: {  	v33 =	vmax.f32 v59, v61;
	v63 =	vmax.f32 v62, $0.0e+00;
	v34 =	vmin.f32 v34, v35  }
0x6e: {  	v48 =	vor.u32 v26, v47;
	v33 =	vmax.f32 v33, v63;
	v34 =	vmin.f32 v41, v34  }
0x6f: {  	v33 =	vmax.f32 v34, v33  }
0x70: {  	[tilespmem:v60+s1+$0x0] =	vst.idx.msk $0xffff, v33  }
0x71: {  	v49 =	vld.idx.msk [tilespmem:v40+s1+$0x0], $0xffff  }
0x72: {  	v35 =	vld.idx.msk [tilespmem:v46+s1+$0x0], $0xffff  }
0x73: {  	v50 =	vadd.s32 v9, v22;
	v36 =	vld.idx.msk [tilespmem:v48+s1+$0x0], $0xffff;
	_ =	sdelay $0x4  }
0x74: {  	v44 =	vsel vm0, $0xEC00, v10;
	v43 =	vld.idx.msk [tilespmem:v50+s1+$0x0], $0xffff;
	v36 =	vsub.f32 v49, v36;
	v51 =	vadd.f32 $-3.030303120e-02, v35  }
0x75: {  	v44 =	vadd.s32 v44, v25;
	v45 =	vsel vm2, $0xEC00, v10;
	v54 =	vsel vm1, $0xEC00, v10  }
0x76: {  	v42 =	vadd.s32 v54, v20;
	v52 =	vadd.f32 v36, v51;
	v36 =	vadd.f32 v36, v35  }
0x77: {  	v44 =	vor.u32 v26, v44;
	v55 =	vadd.s32 v45, v24;
	v42 =	vor.u32 v21, v42  }
0x78: {  	v34 =	vmax.f32 v49, v51;
	v53 =	vmax.f32 v52, $0.0e+00;
	v35 =	vmin.f32 v35, v36  }
0x79: {  	v36 =	vor.u32 v23, v55;
	v34 =	vmax.f32 v34, v53;
	v35 =	vmin.f32 v43, v35  }
0x7a: {  	v34 =	vmax.f32 v35, v34  }
0x7b: {  	[tilespmem:v50+s1+$0x0] =	vst.idx.msk $0xffff, v34  }
0x7c: {  	v56 =	vld.idx.msk [tilespmem:v42+s1+$0x0], $0xffff  }
0x7d: {  	v38 =	vld.idx.msk [tilespmem:v44+s1+$0x0], $0xffff  }
0x7e: {  	v57 =	vadd.s32 v10, v22;
	v36 =	vld.idx.msk [tilespmem:v36+s1+$0x0], $0xffff;
	_ =	sdelay $0x3  }
0x7f: {  	v61 =	vsel vm1, $0xEC00, v11  }
0x80: {  	v62 =	vsel vm2, $0xEC00, v11;
	v59 =	vld.idx.msk [tilespmem:v57+s1+$0x0], $0xffff;
	v38 =	vsub.f32 v56, v38;
	v58 =	vadd.f32 $-3.030303120e-02, v36  }
0x81: {  	v20 =	vadd.s32 v61, v20;
	v63 =	vadd.s32 v62, v24  }
0x82: {  	v42 =	vsel vm0, $0xEC00, v11;
	v60 =	vadd.f32 v38, v36;
	v38 =	vadd.f32 v38, v58  }
0x83: {  	v20 =	vor.u32 v21, v20;
	v21 =	vor.u32 v23, v63;
	v45 =	vadd.s32 v42, v25  }
0x84: {  	v35 =	vmax.f32 v56, v58;
	v36 =	vmin.f32 v36, v60;
	v46 =	vmax.f32 v38, $0.0e+00  }
0x85: {  	v23 =	vor.u32 v26, v45;
	v47 =	vmin.f32 v59, v36;
	v24 =	vmax.f32 v35, v46  }
0x86: {  	v24 =	vmax.f32 v47, v24  }
0x87: {  	[tilespmem:v57+s1+$0x0] =	vst.idx.msk $0xffff, v24  }
0x88: {  	v20 =	vld.idx.msk [tilespmem:v20+s1+$0x0], $0xffff  }
0x89: {  	v21 =	vld.idx.msk [tilespmem:v21+s1+$0x0], $0xffff  }
0x8a: {  	v22 =	vadd.s32 v11, v22;
	v23 =	vld.idx.msk [tilespmem:v23+s1+$0x0], $0xffff;
	_ =	sdelay $0x2  }
0x8b: {  	v48 =	vsub.f32 v28, v27  }
0x8c: {  	v49 =	vsub.f32 v30, v29;
	v50 =	vsub.f32 v31, v37  }
0x8d: {  	v25 =	vand.u32 $0x7FFFFFFF, v48;
	v51 =	vld.idx.msk [tilespmem:v22+s1+$0x0], $0xffff;
	v23 =	vsub.f32 v20, v23;
	v52 =	vadd.f32 $-3.030303120e-02, v21  }
0x8e: {  	v55 =	vsub.f32 v32, v39;
	v53 =	vand.u32 $0x7FFFFFFF, v50;
	v19 =	vadd.f32 v25, v19  }
0x8f: {  	v26 =	vand.u32 $0x7FFFFFFF, v49;
	v54 =	vadd.f32 v23, v52;
	v23 =	vadd.f32 v23, v21  }
0x90: {  	v17 =	vadd.f32 v53, v17;
	v18 =	vadd.f32 v26, v18  }
0x91: {  	v20 =	vmax.f32 v20, v52;
	v26 =	vmax.f32 v54, $0.0e+00;
	v21 =	vmin.f32 v21, v23  }
0x92: {  	p0 =	sne.s32 s18, $0x7400;
	v56 =	vsub.f32 v33, v41;
	v20 =	vmax.f32 v20, v26;
	v21 =	vmin.f32 v51, v21  }
.Ltmp0:
0x93: {  	v25 =	vand.u32 $0x7FFFFFFF, v55;
	v57 =	vsub.f32 v34, v43;
	v20 =	vmax.f32 v21, v20;
	(pc) =	sbr.rel @p0 .LBB2_2-.Ltmp0, $4  }
0x94: {  	v58 =	vand.u32 $0x7FFFFFFF, v56;
	v59 =	vsub.f32 v24, v59;
	v60 =	vsub.f32 v20, v51  }
0x95: {  	v16 =	vadd.f32 v25, v16;
	v15 =	vadd.f32 v58, v15;
	v61 =	vand.u32 $0x7FFFFFFF, v57  }
0x96: {  	v62 =	vand.u32 $0x7FFFFFFF, v59;
	v14 =	vadd.f32 v61, v14;
	v63 =	vand.u32 $0x7FFFFFFF, v60  }
0x97: {  	s18 =	sadd.s32 $0x40, s18;
	v13 =	vadd.f32 v62, v13;
	[tilespmem:v22+s1+$0x0] =	vst.idx.msk $0xffff, v20;
	v12 =	vadd.f32 v63, v12  }
0x98: {  	v18 =	vadd.f32 v18, v19;
	_ =	sdelay $0x1  }
0x99: {  	v17 =	vadd.f32 v17, v18;
	_ =	sdelay $0x1  }
0x9a: {  	v16 =	vadd.f32 v16, v17;
	_ =	sdelay $0x1  }
0x9b: {  	v15 =	vadd.f32 v15, v16;
	_ =	sdelay $0x1  }
0x9c: {  	v14 =	vadd.f32 v14, v15;
	_ =	sdelay $0x1  }
0x9d: {  	v13 =	vadd.f32 v13, v14;
	_ =	sdelay $0x1  }
0x9e: {  	v12 =	vadd.f32 v12, v13;
	_ =	sdelay $0x1  }
0x9f: {  	[tilespmem:$0x16F00] =	vst v12  }
0xa0: {  	[hbm4b:s8+s1] =	stream.linear.scatter [tilespmem:s1], [sflag:$0x1], $0xEC00, $0x38;
	[tilespmem:$0x16F10] =	vst v63  }
0xa1: {  	s17 =	sadd.s32 $0x1, s17;
	_ =	swait.ge [sflag:s11], $0xEC00  }
0xa2: {  	p0 =	sne.s32 s17, s10;
	[sflag:s11] =	ssyncset.done $0x0  }
.Ltmp1:
0xa3: {  	[sflag:s11] =	ssyncadd.s32 $0xFFFF1400;
	(pc) =	sbr.rel @p0 .LBB2_1-.Ltmp1, $4  }
0xa4: {  	[hbm4b:s9+s1] =	stream.linear.scatter [tilespmem:s16], [sflag:$0x1], $0x10, $0x38;
	[tilespmem:$0x16F10] =	vst v63  }
0xa5: {  	_ =	swait.ge [sflag:s11], $0x10  }
0xa6: {  	[sflag:s11] =	ssyncset.done $0x0  }
0xa7: {  	[sflag:s11] =	ssyncadd.s32 $0xFFFFFFF0  }
0xa8: {  	_ =	sfence.sel $0x180000  }
0xa9: {  	[bflag:$0x0] =	sbarrier.arrive $0xFFFF  }
0xaa: {  	p0 =	sne.s32 s2, $0x0;
	_ =	strace $0x90000047  }
0xab: {  	s0 =	sadd.s32 @!p0 $0x100000, s0;
	[bflag:$0x2] =	sbarrier.arrive $0xFFFF  }
0xac: {  	[sflag:s0] =	ssyncadd.tile.s32 @!p0 $0x1;
	_ =	shalt  }
.Lfunc_end2:
_tile_overlayer_lowered:
.L_overlay_start_2:
0xad: {  	(tag) =	ssettag $0x2  }
0xae: {  	s0 =	rddreg [dreg:$0x0];
	s2 =	stileid.u32  }
0xaf: {  	s1 =	rddreg [dreg:$0x1];
	p0 =	sne.s32 s2, $0x0  }
0xb0: {  	s3 =	rddreg [dreg:$0x2];
	[bflag:$0x3] =	sbarrier.arrive $0xFFFF;
	s2 =	simm.s32 @!p0 $0x1C01  }
0xb1: {  	[timem:s3], [sflag:s2] =	dma.local @!p0 [hbm:s0], s1  }
0xb2: {  	s0 =	simm.s32 @!p0 $0x1  }
0xb3: {  	_ =	swait.ge @!p0 [sflag:s0], s1  }
0xb4: {  	s1 =	ssub.s32 @!p0 $0x0, s1;
	[sflag:s0] =	ssyncset.done @!p0 $0x0  }
0xb5: {  	[sflag:s0] =	ssyncadd.s32 @!p0 s1  }
0xb6: {  	[bflag:$0x3] =	sbarrier.arrive $0xFFFF  }
0xb7: {  	_ =	shalt  }

</sc_bundles>
